<compile_context>
chip_gen: v7x
topology: tpu7x:2x2x1
jax: 0.10.2.dev20260603
libtpu: 0.0.44.dev20260713+nightly
codegen_flags: <defaults>
</compile_context>

<pallas_src>
import functools

import jax
import jax.numpy as jnp
from jax import lax
from jax.experimental import pallas as pl
from jax.experimental.pallas import tpu as pltpu
from jax.experimental.pallas import tpu_sc as plsc



_NC = 2
_NS = 16
_LANES = 16


@functools.lru_cache(maxsize=None)
def _make_sc_msgpass(N, E, D):
    NW = _NC * _NS
    assert E % NW == 0
    epw = E // NW
    K = 80
    assert epw % K == 0
    nchunk = epw // K
    blk = _NS * 128
    N_pad = ((N + blk - 1) // blk) * blk
    rows_per_tile = N_pad // _NS
    ZR = 128
    assert rows_per_tile % ZR == 0
    nzero = rows_per_tile // ZR
    cols = D // _LANES

    mesh = plsc.VectorSubcoreMesh(core_axis_name="c", subcore_axis_name="s",
                                  num_cores=_NC, num_subcores=_NS)

    @functools.partial(
        pl.kernel,
        out_type=jax.ShapeDtypeStruct((_NC, N_pad, D), jnp.float32),
        mesh=mesh,
        scratch_types=dict(
            src_v=pltpu.VMEM((K,), jnp.int32),
            dst_v=pltpu.VMEM((K,), jnp.int32),
            ea_v=pltpu.VMEM((K, D), jnp.float32),
            hg_v=pltpu.VMEM((K, D), jnp.float32),
            zb_v=pltpu.VMEM((ZR, D), jnp.float32),
            agg_sh=pltpu.VMEM_SHARED((N_pad, D), jnp.float32),
            sem=pltpu.SemaphoreType.DMA,
        ),
    )
    def sc_msgpass(h_hbm, src_hbm, dst_hbm, ea_hbm, out_hbm,
                   src_v, dst_v, ea_v, hg_v, zb_v, agg_sh, sem):
        c = lax.axis_index("c")
        s = lax.axis_index("s")
        wid = c * _NS + s

        def zrow(i, carry):
            for j in range(cols):
                zb_v[i, pl.ds(j * _LANES, _LANES)] = jnp.zeros(
                    (_LANES,), jnp.float32)
            return carry
        lax.fori_loop(0, ZR, zrow, 0)
        row0 = s * rows_per_tile
        for t in range(nzero):
            pltpu.sync_copy(zb_v, agg_sh.at[pl.ds(row0 + t * ZR, ZR)])
        plsc.subcore_barrier()

        ebase = wid * epw

        def chunk(k, carry):
            b = ebase + k * K
            pltpu.sync_copy(src_hbm.at[pl.ds(b, K)], src_v)
            pltpu.sync_copy(dst_hbm.at[pl.ds(b, K)], dst_v)
            pltpu.sync_copy(ea_hbm.at[pl.ds(b, K)], ea_v)
            pltpu.async_copy(h_hbm.at[src_v], hg_v, sem).wait()

            def mrow(i, carry2):
                for j in range(cols):
                    sl = pl.ds(j * _LANES, _LANES)
                    ea_v[i, sl] = jnp.maximum(hg_v[i, sl] + ea_v[i, sl], 0.0)
                return carry2
            lax.fori_loop(0, K, mrow, 0)

            pltpu.sync_copy(ea_v, agg_sh.at[dst_v], add=True)
            return carry
        lax.fori_loop(0, nchunk, chunk, 0)
        plsc.subcore_barrier()

        pltpu.sync_copy(agg_sh.at[pl.ds(row0, rows_per_tile)],
                        out_hbm.at[c, pl.ds(row0, rows_per_tile)])

    return sc_msgpass



_BM = 2000


def _pre_body(x_ref, w_ref, b_ref, o_ref):
    acc = jnp.dot(x_ref[...], w_ref[...], preferred_element_type=jnp.float32)
    o_ref[...] = jnp.maximum(acc + b_ref[...], 0.0)


def _mlp_body(h_ref, a_ref, w1_ref, b1_ref, w2_ref, b2_ref, o_ref):
    h = h_ref[...]
    z = h + a_ref[0] + a_ref[1]
    z1 = jnp.maximum(
        jnp.dot(z, w1_ref[...], preferred_element_type=jnp.float32)
        + b1_ref[...], 0.0)
    z2 = (jnp.dot(z1, w2_ref[...], preferred_element_type=jnp.float32)
          + b2_ref[...])
    o_ref[...] = h + jnp.maximum(z2, 0.0)


def _head_body(h_ref, w_ref, b_ref, o_ref):
    o_ref[...] = (jnp.dot(h_ref[...], w_ref[...],
                          preferred_element_type=jnp.float32) + b_ref[...])


def _row_block(bm, d):
    return pl.BlockSpec((bm, d), lambda i: (i, 0))


def _full_block(shape):
    return pl.BlockSpec(shape, lambda i: tuple(0 for _ in shape))


def _tc_pre(x, W, b):
    N, D = x.shape
    return pl.pallas_call(
        _pre_body,
        grid=(N // _BM,),
        in_specs=[_row_block(_BM, D), _full_block(W.shape),
                  _full_block(b.shape)],
        out_specs=_row_block(_BM, W.shape[1]),
        out_shape=jax.ShapeDtypeStruct((N, W.shape[1]), jnp.float32),
    )(x, W, b)


def _tc_mlp(h, agg2, W1, b1, W2, b2):
    N, D = h.shape
    return pl.pallas_call(
        _mlp_body,
        grid=(N // _BM,),
        in_specs=[
            _row_block(_BM, D),
            pl.BlockSpec((_NC, _BM, D), lambda i: (0, i, 0)),
            _full_block(W1.shape), _full_block(b1.shape),
            _full_block(W2.shape), _full_block(b2.shape),
        ],
        out_specs=_row_block(_BM, D),
        out_shape=jax.ShapeDtypeStruct((N, D), jnp.float32),
    )(h, agg2, W1, b1, W2, b2)


def _tc_head(h, W, b):
    N, D = h.shape
    OUT = W.shape[1]
    return pl.pallas_call(
        _head_body,
        grid=(N // _BM,),
        in_specs=[_row_block(_BM, D), _full_block(W.shape),
                  _full_block(b.shape)],
        out_specs=_row_block(_BM, OUT),
        out_shape=jax.ShapeDtypeStruct((N, OUT), jnp.float32),
    )(h, W, b)



def kernel(x, edge_index, edge_attr, W_pre, b_pre, W1, b1, W2, b2,
           W_head, b_head):
    N, D = x.shape
    E = edge_attr.shape[0]
    L = W1.shape[0]
    src = edge_index[0]
    dst = edge_index[1]

    sc_msgpass = _make_sc_msgpass(N, E, D)

    h = _tc_pre(x, W_pre, b_pre.reshape(1, D))
    for l in range(L):
        agg2 = sc_msgpass(h, src, dst, edge_attr)
        h = _tc_mlp(h, agg2, W1[l], b1[l].reshape(1, D),
                    W2[l], b2[l].reshape(1, D))
    return _tc_head(h, W_head, b_head.reshape(1, -1))

# --- scband reference (transcript-rebuilt; emitter-appended) ---
"""Pipeline reference for scband-custom-gnn-12463995093129 (READ-ONLY COPY).

The authoritative reference and input builder live on the scoring server;
editing this copy changes nothing except your own understanding.
"""

import jax, jax.numpy as jnp
import numpy as np

N = 10000
E = 320000
D = 128
OUT = 40
L = 3


def setup_inputs(seed: int = 0) -> dict:
    key = jax.random.key(seed)
    ks = jax.random.split(key, 10)
    x = jax.random.normal(ks[0], (N, D), dtype=jnp.float32)
    edge_index = jax.random.randint(ks[1], (2, E), 0, N).astype(jnp.int32)
    edge_attr = jax.random.normal(ks[2], (E, D), dtype=jnp.float32) * 0.1
    # pre_mp: Linear(D, D) + ReLU  (layers_pre_mp=1, dim_inner=D)
    W_pre = jax.random.normal(ks[3], (D, D), dtype=jnp.float32) * 0.05
    b_pre = jnp.zeros((D,), dtype=jnp.float32)
    # 3 GINEConv layers, each with MLP Linear(D,D)-ReLU-Linear(D,D)
    W1 = jax.random.normal(ks[4], (L, D, D), dtype=jnp.float32) * 0.05
    b1 = jnp.zeros((L, D), dtype=jnp.float32)
    W2 = jax.random.normal(ks[5], (L, D, D), dtype=jnp.float32) * 0.05
    b2 = jnp.zeros((L, D), dtype=jnp.float32)
    # post_mp head: Linear(D, OUT)
    W_head = jax.random.normal(ks[6], (D, OUT), dtype=jnp.float32) * 0.05
    b_head = jnp.zeros((OUT,), dtype=jnp.float32)
    return {"x": x, "edge_index": edge_index, "edge_attr": edge_attr,
            "W_pre": W_pre, "b_pre": b_pre, "W1": W1, "b1": b1,
            "W2": W2, "b2": b2, "W_head": W_head, "b_head": b_head}


def reference(x, edge_index, edge_attr, W_pre, b_pre, W1, b1, W2, b2, W_head, b_head):
    # FeatureEncoder: identity (dim_in preserved)
    # GNNPreMP: Linear + ReLU
    h = jax.nn.relu(x @ W_pre + b_pre)
    src = edge_index[0]
    dst = edge_index[1]
    # layers_mp=3 GINEConvLayer blocks (eps=0, residual=True, relu activation)
    for l in range(L):
        msg = jax.nn.relu(h[src] + edge_attr)            # GINE message
        agg = jax.ops.segment_sum(msg, dst, num_segments=N)  # scatter-add aggregation
        z = h + agg                                       # (1+eps)*x + aggr, eps=0
        z = jax.nn.relu(z @ W1[l] + b1[l]) @ W2[l] + b2[l]  # GINE MLP
        h = h + jax.nn.relu(z)                            # activation + residual
    # post_mp head: node-level Linear(D, dim_out)
    out = h @ W_head + b_head
    return out

if __name__ == "__main__":
    import jax
    _d = setup_inputs()
    print(jax.jit(kernel)(*tuple(_d.values())))

</pallas_src>

<mosaic_0001>
#map = affine_map<(d0, d1) -> (0, 0)>
#map1 = affine_map<(d0, d1) -> (0)>
#map2 = affine_map<(d0, d1) -> (0, 0, 0)>
module attributes {stable_mosaic.version = 14 : i64} {
  func.func @sc_msgpass(%arg0: i32, %arg1: i32, %arg2: memref<10000x128xf32, #tpu.memory_space<hbm>>, %arg3: memref<320000xi32, #tpu.memory_space<hbm>>, %arg4: memref<320000xi32, #tpu.memory_space<hbm>>, %arg5: memref<320000x128xf32, #tpu.memory_space<hbm>>, %arg6: memref<2x10240x128xf32, #tpu.memory_space<hbm>>, %arg7: memref<10240x128xf32, #tpu.memory_space<vmem_shared>>, %arg8: memref<80xi32, #tpu.memory_space<vmem>>, %arg9: memref<80x128xf32, #tpu.memory_space<vmem>>, %arg10: memref<80x128xf32, #tpu.memory_space<vmem>>, %arg11: memref<!tpu.dma_semaphore, #tpu.memory_space<semaphore_mem>>, %arg12: memref<80xi32, #tpu.memory_space<vmem>>, %arg13: memref<128x128xf32, #tpu.memory_space<vmem>>) attributes {dimension_semantics = [#tpu.dimension_semantics<core_parallel>, #tpu.dimension_semantics<subcore_parallel>], iteration_bounds = array<i64: 2, 16>, scalar_prefetch = 0 : i64, scratch_operands = 7 : i64, tpu.core_type = #tpu.core_type<sc_vector_subcore>, window_params = [{transform_indices = #map}, {transform_indices = #map1}, {transform_indices = #map1}, {transform_indices = #map}, {transform_indices = #map2}]} {
    %mul3A = arith.constant 16 : i32
    %mul3A_0 = arith.muli %arg0, %mul3A : i32
    %add3A = arith.addi %mul3A_0, %arg1 : i32
    %scan3A = arith.constant 0 : i32
    %scan3A_1 = arith.constant 0 : i32
    %scan3A_2 = arith.constant 128 : i32
    %scan3A_3 = arith.addi %scan3A_1, %scan3A_2 : i32
    %scan3A_4 = arith.constant 1 : i32
    scf.for %scan3A_27 = %scan3A_1 to %scan3A_3 step %scan3A_4  : i32 {
      %broadcast_in_dim3A = arith.constant 0.000000e+00 : f32
      %broadcast_in_dim3A_28 = vector.broadcast %broadcast_in_dim3A : f32 to vector<16xf32>
      %swap3A = arith.index_cast %scan3A_27 : i32 to index
      %swap3A_29 = arith.constant 0 : index
      %swap3A_30 = tpu.vector_load %arg13[%swap3A, %swap3A_29] {strides = array<i32>} : memref<128x128xf32, #tpu.memory_space<vmem>>, vector<1x16xf32>,
      %swap3A_31 = vector.shape_cast %swap3A_30 : vector<1x16xf32> to vector<16xf32>
      %swap3A_32 = vector.shape_cast %broadcast_in_dim3A_28 : vector<16xf32> to vector<1x16xf32>
      tpu.vector_store %arg13[%swap3A, %swap3A_29], %swap3A_32 {strides = array<i32>} : memref<128x128xf32, #tpu.memory_space<vmem>>, vector<1x16xf32>,
      %broadcast_in_dim3A_33 = arith.constant 0.000000e+00 : f32
      %broadcast_in_dim3A_34 = vector.broadcast %broadcast_in_dim3A_33 : f32 to vector<16xf32>
      %swap3A_35 = arith.index_cast %scan3A_27 : i32 to index
      %swap3A_36 = arith.constant 16 : index
      %swap3A_37 = tpu.vector_load %arg13[%swap3A_35, %swap3A_36] {strides = array<i32>} : memref<128x128xf32, #tpu.memory_space<vmem>>, vector<1x16xf32>,
      %swap3A_38 = vector.shape_cast %swap3A_37 : vector<1x16xf32> to vector<16xf32>
      %swap3A_39 = vector.shape_cast %broadcast_in_dim3A_34 : vector<16xf32> to vector<1x16xf32>
      tpu.vector_store %arg13[%swap3A_35, %swap3A_36], %swap3A_39 {strides = array<i32>} : memref<128x128xf32, #tpu.memory_space<vmem>>, vector<1x16xf32>,
      %broadcast_in_dim3A_40 = arith.constant 0.000000e+00 : f32
      %broadcast_in_dim3A_41 = vector.broadcast %broadcast_in_dim3A_40 : f32 to vector<16xf32>
      %swap3A_42 = arith.index_cast %scan3A_27 : i32 to index
      %swap3A_43 = arith.constant 32 : index
      %swap3A_44 = tpu.vector_load %arg13[%swap3A_42, %swap3A_43] {strides = array<i32>} : memref<128x128xf32, #tpu.memory_space<vmem>>, vector<1x16xf32>,
      %swap3A_45 = vector.shape_cast %swap3A_44 : vector<1x16xf32> to vector<16xf32>
      %swap3A_46 = vector.shape_cast %broadcast_in_dim3A_41 : vector<16xf32> to vector<1x16xf32>
      tpu.vector_store %arg13[%swap3A_42, %swap3A_43], %swap3A_46 {strides = array<i32>} : memref<128x128xf32, #tpu.memory_space<vmem>>, vector<1x16xf32>,
      %broadcast_in_dim3A_47 = arith.constant 0.000000e+00 : f32
      %broadcast_in_dim3A_48 = vector.broadcast %broadcast_in_dim3A_47 : f32 to vector<16xf32>
      %swap3A_49 = arith.index_cast %scan3A_27 : i32 to index
      %swap3A_50 = arith.constant 48 : index
      %swap3A_51 = tpu.vector_load %arg13[%swap3A_49, %swap3A_50] {strides = array<i32>} : memref<128x128xf32, #tpu.memory_space<vmem>>, vector<1x16xf32>,
      %swap3A_52 = vector.shape_cast %swap3A_51 : vector<1x16xf32> to vector<16xf32>
      %swap3A_53 = vector.shape_cast %broadcast_in_dim3A_48 : vector<16xf32> to vector<1x16xf32>
      tpu.vector_store %arg13[%swap3A_49, %swap3A_50], %swap3A_53 {strides = array<i32>} : memref<128x128xf32, #tpu.memory_space<vmem>>, vector<1x16xf32>,
      %broadcast_in_dim3A_54 = arith.constant 0.000000e+00 : f32
      %broadcast_in_dim3A_55 = vector.broadcast %broadcast_in_dim3A_54 : f32 to vector<16xf32>
      %swap3A_56 = arith.index_cast %scan3A_27 : i32 to index
      %swap3A_57 = arith.constant 64 : index
      %swap3A_58 = tpu.vector_load %arg13[%swap3A_56, %swap3A_57] {strides = array<i32>} : memref<128x128xf32, #tpu.memory_space<vmem>>, vector<1x16xf32>,
      %swap3A_59 = vector.shape_cast %swap3A_58 : vector<1x16xf32> to vector<16xf32>
      %swap3A_60 = vector.shape_cast %broadcast_in_dim3A_55 : vector<16xf32> to vector<1x16xf32>
      tpu.vector_store %arg13[%swap3A_56, %swap3A_57], %swap3A_60 {strides = array<i32>} : memref<128x128xf32, #tpu.memory_space<vmem>>, vector<1x16xf32>,
      %broadcast_in_dim3A_61 = arith.constant 0.000000e+00 : f32
      %broadcast_in_dim3A_62 = vector.broadcast %broadcast_in_dim3A_61 : f32 to vector<16xf32>
      %swap3A_63 = arith.index_cast %scan3A_27 : i32 to index
      %swap3A_64 = arith.constant 80 : index
      %swap3A_65 = tpu.vector_load %arg13[%swap3A_63, %swap3A_64] {strides = array<i32>} : memref<128x128xf32, #tpu.memory_space<vmem>>, vector<1x16xf32>,
      %swap3A_66 = vector.shape_cast %swap3A_65 : vector<1x16xf32> to vector<16xf32>
      %swap3A_67 = vector.shape_cast %broadcast_in_dim3A_62 : vector<16xf32> to vector<1x16xf32>
      tpu.vector_store %arg13[%swap3A_63, %swap3A_64], %swap3A_67 {strides = array<i32>} : memref<128x128xf32, #tpu.memory_space<vmem>>, vector<1x16xf32>,
      %broadcast_in_dim3A_68 = arith.constant 0.000000e+00 : f32
      %broadcast_in_dim3A_69 = vector.broadcast %broadcast_in_dim3A_68 : f32 to vector<16xf32>
      %swap3A_70 = arith.index_cast %scan3A_27 : i32 to index
      %swap3A_71 = arith.constant 96 : index
      %swap3A_72 = tpu.vector_load %arg13[%swap3A_70, %swap3A_71] {strides = array<i32>} : memref<128x128xf32, #tpu.memory_space<vmem>>, vector<1x16xf32>,
      %swap3A_73 = vector.shape_cast %swap3A_72 : vector<1x16xf32> to vector<16xf32>
      %swap3A_74 = vector.shape_cast %broadcast_in_dim3A_69 : vector<16xf32> to vector<1x16xf32>
      tpu.vector_store %arg13[%swap3A_70, %swap3A_71], %swap3A_74 {strides = array<i32>} : memref<128x128xf32, #tpu.memory_space<vmem>>, vector<1x16xf32>,
      %broadcast_in_dim3A_75 = arith.constant 0.000000e+00 : f32
      %broadcast_in_dim3A_76 = vector.broadcast %broadcast_in_dim3A_75 : f32 to vector<16xf32>
      %swap3A_77 = arith.index_cast %scan3A_27 : i32 to index
      %swap3A_78 = arith.constant 112 : index
      %swap3A_79 = tpu.vector_load %arg13[%swap3A_77, %swap3A_78] {strides = array<i32>} : memref<128x128xf32, #tpu.memory_space<vmem>>, vector<1x16xf32>,
      %swap3A_80 = vector.shape_cast %swap3A_79 : vector<1x16xf32> to vector<16xf32>
      %swap3A_81 = vector.shape_cast %broadcast_in_dim3A_76 : vector<16xf32> to vector<1x16xf32>
      tpu.vector_store %arg13[%swap3A_77, %swap3A_78], %swap3A_81 {strides = array<i32>} : memref<128x128xf32, #tpu.memory_space<vmem>>, vector<1x16xf32>,
    }
    %scan3A_5 = arith.constant 128 : i32
    %mul3A_6 = arith.constant 640 : i32
    %mul3A_7 = arith.muli %arg1, %mul3A_6 : i32
    %add3A_8 = arith.constant 0 : i32
    %add3A_9 = arith.addi %mul3A_7, %add3A_8 : i32
    "tpu.region"() ({
      %run_scoped3A = tpu.sem_alloc : memref<!tpu.dma_semaphore, #tpu.memory_space<semaphore_mem>>
      %dma_start3A = arith.constant 0 : i32
      %dma_start3A_27 = tpu.memref_slice %arg7[%add3A_9, %dma_start3A] : memref<10240x128xf32, #tpu.memory_space<vmem_shared>> -> memref<128x128xf32, #tpu.memory_space<vmem_shared>>
      %dma_start3A_28 = arith.constant 0 : i32
      %dma_start3A_29 = tpu.memref_slice %arg7[%add3A_9, %dma_start3A_28] : memref<10240x128xf32, #tpu.memory_space<vmem_shared>> -> memref<128x128xf32, #tpu.memory_space<vmem_shared>>
      tpu.enqueue_dma source(%arg13 : memref<128x128xf32, #tpu.memory_space<vmem>>) target(%dma_start3A_29 : memref<128x128xf32, #tpu.memory_space<vmem_shared>>) target_semaphore(%run_scoped3A : memref<!tpu.dma_semaphore, #tpu.memory_space<semaphore_mem>>)
      %dma_wait3A = arith.constant 0 : i32
      %dma_wait3A_30 = tpu.memref_slice %arg7[%add3A_9, %dma_wait3A] : memref<10240x128xf32, #tpu.memory_space<vmem_shared>> -> memref<128x128xf32, #tpu.memory_space<vmem_shared>>
      %dma_wait3A_31 = arith.constant 0 : i32
      %dma_wait3A_32 = tpu.memref_slice %arg7[%add3A_9, %dma_wait3A_31] : memref<10240x128xf32, #tpu.memory_space<vmem_shared>> -> memref<128x128xf32, #tpu.memory_space<vmem_shared>>
      tpu.wait_dma2 semaphore(%run_scoped3A : memref<!tpu.dma_semaphore, #tpu.memory_space<semaphore_mem>>) src(%arg13 : memref<128x128xf32, #tpu.memory_space<vmem>>) dst(%dma_wait3A_32 : memref<128x128xf32, #tpu.memory_space<vmem_shared>>)
      tpu.yield
    }) : () -> ()
    %add3A_10 = arith.constant 128 : i32
    %add3A_11 = arith.addi %mul3A_7, %add3A_10 : i32
    "tpu.region"() ({
      %run_scoped3A = tpu.sem_alloc : memref<!tpu.dma_semaphore, #tpu.memory_space<semaphore_mem>>
      %dma_start3A = arith.constant 0 : i32
      %dma_start3A_27 = tpu.memref_slice %arg7[%add3A_11, %dma_start3A] : memref<10240x128xf32, #tpu.memory_space<vmem_shared>> -> memref<128x128xf32, #tpu.memory_space<vmem_shared>>
      %dma_start3A_28 = arith.constant 0 : i32
      %dma_start3A_29 = tpu.memref_slice %arg7[%add3A_11, %dma_start3A_28] : memref<10240x128xf32, #tpu.memory_space<vmem_shared>> -> memref<128x128xf32, #tpu.memory_space<vmem_shared>>
      tpu.enqueue_dma source(%arg13 : memref<128x128xf32, #tpu.memory_space<vmem>>) target(%dma_start3A_29 : memref<128x128xf32, #tpu.memory_space<vmem_shared>>) target_semaphore(%run_scoped3A : memref<!tpu.dma_semaphore, #tpu.memory_space<semaphore_mem>>)
      %dma_wait3A = arith.constant 0 : i32
      %dma_wait3A_30 = tpu.memref_slice %arg7[%add3A_11, %dma_wait3A] : memref<10240x128xf32, #tpu.memory_space<vmem_shared>> -> memref<128x128xf32, #tpu.memory_space<vmem_shared>>
      %dma_wait3A_31 = arith.constant 0 : i32
      %dma_wait3A_32 = tpu.memref_slice %arg7[%add3A_11, %dma_wait3A_31] : memref<10240x128xf32, #tpu.memory_space<vmem_shared>> -> memref<128x128xf32, #tpu.memory_space<vmem_shared>>
      tpu.wait_dma2 semaphore(%run_scoped3A : memref<!tpu.dma_semaphore, #tpu.memory_space<semaphore_mem>>) src(%arg13 : memref<128x128xf32, #tpu.memory_space<vmem>>) dst(%dma_wait3A_32 : memref<128x128xf32, #tpu.memory_space<vmem_shared>>)
      tpu.yield
    }) : () -> ()
    %add3A_12 = arith.constant 256 : i32
    %add3A_13 = arith.addi %mul3A_7, %add3A_12 : i32
    "tpu.region"() ({
      %run_scoped3A = tpu.sem_alloc : memref<!tpu.dma_semaphore, #tpu.memory_space<semaphore_mem>>
      %dma_start3A = arith.constant 0 : i32
      %dma_start3A_27 = tpu.memref_slice %arg7[%add3A_13, %dma_start3A] : memref<10240x128xf32, #tpu.memory_space<vmem_shared>> -> memref<128x128xf32, #tpu.memory_space<vmem_shared>>
      %dma_start3A_28 = arith.constant 0 : i32
      %dma_start3A_29 = tpu.memref_slice %arg7[%add3A_13, %dma_start3A_28] : memref<10240x128xf32, #tpu.memory_space<vmem_shared>> -> memref<128x128xf32, #tpu.memory_space<vmem_shared>>
      tpu.enqueue_dma source(%arg13 : memref<128x128xf32, #tpu.memory_space<vmem>>) target(%dma_start3A_29 : memref<128x128xf32, #tpu.memory_space<vmem_shared>>) target_semaphore(%run_scoped3A : memref<!tpu.dma_semaphore, #tpu.memory_space<semaphore_mem>>)
      %dma_wait3A = arith.constant 0 : i32
      %dma_wait3A_30 = tpu.memref_slice %arg7[%add3A_13, %dma_wait3A] : memref<10240x128xf32, #tpu.memory_space<vmem_shared>> -> memref<128x128xf32, #tpu.memory_space<vmem_shared>>
      %dma_wait3A_31 = arith.constant 0 : i32
      %dma_wait3A_32 = tpu.memref_slice %arg7[%add3A_13, %dma_wait3A_31] : memref<10240x128xf32, #tpu.memory_space<vmem_shared>> -> memref<128x128xf32, #tpu.memory_space<vmem_shared>>
      tpu.wait_dma2 semaphore(%run_scoped3A : memref<!tpu.dma_semaphore, #tpu.memory_space<semaphore_mem>>) src(%arg13 : memref<128x128xf32, #tpu.memory_space<vmem>>) dst(%dma_wait3A_32 : memref<128x128xf32, #tpu.memory_space<vmem_shared>>)
      tpu.yield
    }) : () -> ()
    %add3A_14 = arith.constant 384 : i32
    %add3A_15 = arith.addi %mul3A_7, %add3A_14 : i32
    "tpu.region"() ({
      %run_scoped3A = tpu.sem_alloc : memref<!tpu.dma_semaphore, #tpu.memory_space<semaphore_mem>>
      %dma_start3A = arith.constant 0 : i32
      %dma_start3A_27 = tpu.memref_slice %arg7[%add3A_15, %dma_start3A] : memref<10240x128xf32, #tpu.memory_space<vmem_shared>> -> memref<128x128xf32, #tpu.memory_space<vmem_shared>>
      %dma_start3A_28 = arith.constant 0 : i32
      %dma_start3A_29 = tpu.memref_slice %arg7[%add3A_15, %dma_start3A_28] : memref<10240x128xf32, #tpu.memory_space<vmem_shared>> -> memref<128x128xf32, #tpu.memory_space<vmem_shared>>
      tpu.enqueue_dma source(%arg13 : memref<128x128xf32, #tpu.memory_space<vmem>>) target(%dma_start3A_29 : memref<128x128xf32, #tpu.memory_space<vmem_shared>>) target_semaphore(%run_scoped3A : memref<!tpu.dma_semaphore, #tpu.memory_space<semaphore_mem>>)
      %dma_wait3A = arith.constant 0 : i32
      %dma_wait3A_30 = tpu.memref_slice %arg7[%add3A_15, %dma_wait3A] : memref<10240x128xf32, #tpu.memory_space<vmem_shared>> -> memref<128x128xf32, #tpu.memory_space<vmem_shared>>
      %dma_wait3A_31 = arith.constant 0 : i32
      %dma_wait3A_32 = tpu.memref_slice %arg7[%add3A_15, %dma_wait3A_31] : memref<10240x128xf32, #tpu.memory_space<vmem_shared>> -> memref<128x128xf32, #tpu.memory_space<vmem_shared>>
      tpu.wait_dma2 semaphore(%run_scoped3A : memref<!tpu.dma_semaphore, #tpu.memory_space<semaphore_mem>>) src(%arg13 : memref<128x128xf32, #tpu.memory_space<vmem>>) dst(%dma_wait3A_32 : memref<128x128xf32, #tpu.memory_space<vmem_shared>>)
      tpu.yield
    }) : () -> ()
    %add3A_16 = arith.constant 512 : i32
    %add3A_17 = arith.addi %mul3A_7, %add3A_16 : i32
    "tpu.region"() ({
      %run_scoped3A = tpu.sem_alloc : memref<!tpu.dma_semaphore, #tpu.memory_space<semaphore_mem>>
      %dma_start3A = arith.constant 0 : i32
      %dma_start3A_27 = tpu.memref_slice %arg7[%add3A_17, %dma_start3A] : memref<10240x128xf32, #tpu.memory_space<vmem_shared>> -> memref<128x128xf32, #tpu.memory_space<vmem_shared>>
      %dma_start3A_28 = arith.constant 0 : i32
      %dma_start3A_29 = tpu.memref_slice %arg7[%add3A_17, %dma_start3A_28] : memref<10240x128xf32, #tpu.memory_space<vmem_shared>> -> memref<128x128xf32, #tpu.memory_space<vmem_shared>>
      tpu.enqueue_dma source(%arg13 : memref<128x128xf32, #tpu.memory_space<vmem>>) target(%dma_start3A_29 : memref<128x128xf32, #tpu.memory_space<vmem_shared>>) target_semaphore(%run_scoped3A : memref<!tpu.dma_semaphore, #tpu.memory_space<semaphore_mem>>)
      %dma_wait3A = arith.constant 0 : i32
      %dma_wait3A_30 = tpu.memref_slice %arg7[%add3A_17, %dma_wait3A] : memref<10240x128xf32, #tpu.memory_space<vmem_shared>> -> memref<128x128xf32, #tpu.memory_space<vmem_shared>>
      %dma_wait3A_31 = arith.constant 0 : i32
      %dma_wait3A_32 = tpu.memref_slice %arg7[%add3A_17, %dma_wait3A_31] : memref<10240x128xf32, #tpu.memory_space<vmem_shared>> -> memref<128x128xf32, #tpu.memory_space<vmem_shared>>
      tpu.wait_dma2 semaphore(%run_scoped3A : memref<!tpu.dma_semaphore, #tpu.memory_space<semaphore_mem>>) src(%arg13 : memref<128x128xf32, #tpu.memory_space<vmem>>) dst(%dma_wait3A_32 : memref<128x128xf32, #tpu.memory_space<vmem_shared>>)
      tpu.yield
    }) : () -> ()
    %barrier3A = arith.constant 0 : index
    tpu.barrier barrier_id(%barrier3A)
    %mul3A_18 = arith.constant 10000 : i32
    %mul3A_19 = arith.muli %add3A, %mul3A_18 : i32
    %scan3A_20 = arith.constant 0 : i32
    %scan3A_21 = arith.constant 0 : i32
    %scan3A_22 = arith.constant 125 : i32
    %scan3A_23 = arith.addi %scan3A_21, %scan3A_22 : i32
    %scan3A_24 = arith.constant 1 : i32
    scf.for %scan3A_27 = %scan3A_21 to %scan3A_23 step %scan3A_24  : i32 {
      %mul3A_28 = arith.constant 80 : i32
      %mul3A_29 = arith.muli %scan3A_27, %mul3A_28 : i32
      %add3A_30 = arith.addi %mul3A_19, %mul3A_29 : i32
      "tpu.region"() ({
        %run_scoped3A = tpu.sem_alloc : memref<!tpu.dma_semaphore, #tpu.memory_space<semaphore_mem>>
        %dma_start3A_41 = tpu.memref_slice %arg3[%add3A_30] : memref<320000xi32, #tpu.memory_space<hbm>> -> memref<80xi32, #tpu.memory_space<hbm>>
        %dma_start3A_42 = tpu.memref_slice %arg3[%add3A_30] : memref<320000xi32, #tpu.memory_space<hbm>> -> memref<80xi32, #tpu.memory_space<hbm>>
        tpu.enqueue_dma source(%dma_start3A_42 : memref<80xi32, #tpu.memory_space<hbm>>) target(%arg12 : memref<80xi32, #tpu.memory_space<vmem>>) target_semaphore(%run_scoped3A : memref<!tpu.dma_semaphore, #tpu.memory_space<semaphore_mem>>)
        %dma_wait3A_43 = tpu.memref_slice %arg3[%add3A_30] : memref<320000xi32, #tpu.memory_space<hbm>> -> memref<80xi32, #tpu.memory_space<hbm>>
        %dma_wait3A_44 = tpu.memref_slice %arg3[%add3A_30] : memref<320000xi32, #tpu.memory_space<hbm>> -> memref<80xi32, #tpu.memory_space<hbm>>
        tpu.wait_dma2 semaphore(%run_scoped3A : memref<!tpu.dma_semaphore, #tpu.memory_space<semaphore_mem>>) src(%dma_wait3A_44 : memref<80xi32, #tpu.memory_space<hbm>>) dst(%arg12 : memref<80xi32, #tpu.memory_space<vmem>>)
        tpu.yield
      }) : () -> ()
      "tpu.region"() ({
        %run_scoped3A = tpu.sem_alloc : memref<!tpu.dma_semaphore, #tpu.memory_space<semaphore_mem>>
        %dma_start3A_41 = tpu.memref_slice %arg4[%add3A_30] : memref<320000xi32, #tpu.memory_space<hbm>> -> memref<80xi32, #tpu.memory_space<hbm>>
        %dma_start3A_42 = tpu.memref_slice %arg4[%add3A_30] : memref<320000xi32, #tpu.memory_space<hbm>> -> memref<80xi32, #tpu.memory_space<hbm>>
        tpu.enqueue_dma source(%dma_start3A_42 : memref<80xi32, #tpu.memory_space<hbm>>) target(%arg8 : memref<80xi32, #tpu.memory_space<vmem>>) target_semaphore(%run_scoped3A : memref<!tpu.dma_semaphore, #tpu.memory_space<semaphore_mem>>)
        %dma_wait3A_43 = tpu.memref_slice %arg4[%add3A_30] : memref<320000xi32, #tpu.memory_space<hbm>> -> memref<80xi32, #tpu.memory_space<hbm>>
        %dma_wait3A_44 = tpu.memref_slice %arg4[%add3A_30] : memref<320000xi32, #tpu.memory_space<hbm>> -> memref<80xi32, #tpu.memory_space<hbm>>
        tpu.wait_dma2 semaphore(%run_scoped3A : memref<!tpu.dma_semaphore, #tpu.memory_space<semaphore_mem>>) src(%dma_wait3A_44 : memref<80xi32, #tpu.memory_space<hbm>>) dst(%arg8 : memref<80xi32, #tpu.memory_space<vmem>>)
        tpu.yield
      }) : () -> ()
      "tpu.region"() ({
        %run_scoped3A = tpu.sem_alloc : memref<!tpu.dma_semaphore, #tpu.memory_space<semaphore_mem>>
        %dma_start3A_41 = arith.constant 0 : i32
        %dma_start3A_42 = tpu.memref_slice %arg5[%add3A_30, %dma_start3A_41] : memref<320000x128xf32, #tpu.memory_space<hbm>> -> memref<80x128xf32, #tpu.memory_space<hbm>>
        %dma_start3A_43 = arith.constant 0 : i32
        %dma_start3A_44 = tpu.memref_slice %arg5[%add3A_30, %dma_start3A_43] : memref<320000x128xf32, #tpu.memory_space<hbm>> -> memref<80x128xf32, #tpu.memory_space<hbm>>
        tpu.enqueue_dma source(%dma_start3A_44 : memref<80x128xf32, #tpu.memory_space<hbm>>) target(%arg9 : memref<80x128xf32, #tpu.memory_space<vmem>>) target_semaphore(%run_scoped3A : memref<!tpu.dma_semaphore, #tpu.memory_space<semaphore_mem>>)
        %dma_wait3A_45 = arith.constant 0 : i32
        %dma_wait3A_46 = tpu.memref_slice %arg5[%add3A_30, %dma_wait3A_45] : memref<320000x128xf32, #tpu.memory_space<hbm>> -> memref<80x128xf32, #tpu.memory_space<hbm>>
        %dma_wait3A_47 = arith.constant 0 : i32
        %dma_wait3A_48 = tpu.memref_slice %arg5[%add3A_30, %dma_wait3A_47] : memref<320000x128xf32, #tpu.memory_space<hbm>> -> memref<80x128xf32, #tpu.memory_space<hbm>>
        tpu.wait_dma2 semaphore(%run_scoped3A : memref<!tpu.dma_semaphore, #tpu.memory_space<semaphore_mem>>) src(%dma_wait3A_48 : memref<80x128xf32, #tpu.memory_space<hbm>>) dst(%arg9 : memref<80x128xf32, #tpu.memory_space<vmem>>)
        tpu.yield
      }) : () -> ()
      %dma_start3A = arith.constant 0 : i32
      %dma_start3A_31 = arith.constant 0 : i32
      %dma_start3A_32 = tpu.memref_slice %arg2[%dma_start3A, %dma_start3A_31] : memref<10000x128xf32, #tpu.memory_space<hbm>> -> memref<10000x128xf32, #tpu.memory_space<hbm>>
      tpu.enqueue_indirect_dma source(%dma_start3A_32 : memref<10000x128xf32, #tpu.memory_space<hbm>>) target(%arg10 : memref<80x128xf32, #tpu.memory_space<vmem>>) offsets(%arg12 : memref<80xi32, #tpu.memory_space<vmem>>) semaphore(%arg11 : memref<!tpu.dma_semaphore, #tpu.memory_space<semaphore_mem>>)
      %dma_wait3A = arith.constant 0 : i32
      %dma_wait3A_33 = arith.constant 0 : i32
      %dma_wait3A_34 = tpu.memref_slice %arg2[%dma_wait3A, %dma_wait3A_33] : memref<10000x128xf32, #tpu.memory_space<hbm>> -> memref<10000x128xf32, #tpu.memory_space<hbm>>
      tpu.wait_indirect_dma semaphore(%arg11 : memref<!tpu.dma_semaphore, #tpu.memory_space<semaphore_mem>>) src(%dma_wait3A_34 : memref<10000x128xf32, #tpu.memory_space<hbm>>) dst(%arg10 : memref<80x128xf32, #tpu.memory_space<vmem>>)
      %scan3A_35 = arith.constant 0 : i32
      %scan3A_36 = arith.constant 0 : i32
      %scan3A_37 = arith.constant 80 : i32
      %scan3A_38 = arith.addi %scan3A_36, %scan3A_37 : i32
      %scan3A_39 = arith.constant 1 : i32
      scf.for %scan3A_41 = %scan3A_36 to %scan3A_38 step %scan3A_39  : i32 {
        %get3A = arith.index_cast %scan3A_41 : i32 to index
        %get3A_42 = arith.constant 0 : index
        %get3A_43 = tpu.vector_load %arg10[%get3A, %get3A_42] {strides = array<i32>} : memref<80x128xf32, #tpu.memory_space<vmem>>, vector<1x16xf32>,
        %get3A_44 = vector.shape_cast %get3A_43 : vector<1x16xf32> to vector<16xf32>
        %get3A_45 = arith.index_cast %scan3A_41 : i32 to index
        %get3A_46 = arith.constant 0 : index
        %get3A_47 = tpu.vector_load %arg9[%get3A_45, %get3A_46] {strides = array<i32>} : memref<80x128xf32, #tpu.memory_space<vmem>>, vector<1x16xf32>,
        %get3A_48 = vector.shape_cast %get3A_47 : vector<1x16xf32> to vector<16xf32>
        %add3A_49 = arith.addf %get3A_44, %get3A_48 : vector<16xf32>
        %max3A = arith.constant 0.000000e+00 : f32
        %max3A_50 = vector.broadcast %max3A : f32 to vector<16xf32>
        %max3A_51 = arith.maximumf %add3A_49, %max3A_50 : vector<16xf32>
        %swap3A = arith.index_cast %scan3A_41 : i32 to index
        %swap3A_52 = arith.constant 0 : index
        %swap3A_53 = tpu.vector_load %arg9[%swap3A, %swap3A_52] {strides = array<i32>} : memref<80x128xf32, #tpu.memory_space<vmem>>, vector<1x16xf32>,
        %swap3A_54 = vector.shape_cast %swap3A_53 : vector<1x16xf32> to vector<16xf32>
        %swap3A_55 = vector.shape_cast %max3A_51 : vector<16xf32> to vector<1x16xf32>
        tpu.vector_store %arg9[%swap3A, %swap3A_52], %swap3A_55 {strides = array<i32>} : memref<80x128xf32, #tpu.memory_space<vmem>>, vector<1x16xf32>,
        %get3A_56 = arith.index_cast %scan3A_41 : i32 to index
        %get3A_57 = arith.constant 16 : index
        %get3A_58 = tpu.vector_load %arg10[%get3A_56, %get3A_57] {strides = array<i32>} : memref<80x128xf32, #tpu.memory_space<vmem>>, vector<1x16xf32>,
        %get3A_59 = vector.shape_cast %get3A_58 : vector<1x16xf32> to vector<16xf32>
        %get3A_60 = arith.index_cast %scan3A_41 : i32 to index
        %get3A_61 = arith.constant 16 : index
        %get3A_62 = tpu.vector_load %arg9[%get3A_60, %get3A_61] {strides = array<i32>} : memref<80x128xf32, #tpu.memory_space<vmem>>, vector<1x16xf32>,
        %get3A_63 = vector.shape_cast %get3A_62 : vector<1x16xf32> to vector<16xf32>
        %add3A_64 = arith.addf %get3A_59, %get3A_63 : vector<16xf32>
        %max3A_65 = arith.constant 0.000000e+00 : f32
        %max3A_66 = vector.broadcast %max3A_65 : f32 to vector<16xf32>
        %max3A_67 = arith.maximumf %add3A_64, %max3A_66 : vector<16xf32>
        %swap3A_68 = arith.index_cast %scan3A_41 : i32 to index
        %swap3A_69 = arith.constant 16 : index
        %swap3A_70 = tpu.vector_load %arg9[%swap3A_68, %swap3A_69] {strides = array<i32>} : memref<80x128xf32, #tpu.memory_space<vmem>>, vector<1x16xf32>,
        %swap3A_71 = vector.shape_cast %swap3A_70 : vector<1x16xf32> to vector<16xf32>
        %swap3A_72 = vector.shape_cast %max3A_67 : vector<16xf32> to vector<1x16xf32>
        tpu.vector_store %arg9[%swap3A_68, %swap3A_69], %swap3A_72 {strides = array<i32>} : memref<80x128xf32, #tpu.memory_space<vmem>>, vector<1x16xf32>,
        %get3A_73 = arith.index_cast %scan3A_41 : i32 to index
        %get3A_74 = arith.constant 32 : index
        %get3A_75 = tpu.vector_load %arg10[%get3A_73, %get3A_74] {strides = array<i32>} : memref<80x128xf32, #tpu.memory_space<vmem>>, vector<1x16xf32>,
        %get3A_76 = vector.shape_cast %get3A_75 : vector<1x16xf32> to vector<16xf32>
        %get3A_77 = arith.index_cast %scan3A_41 : i32 to index
        %get3A_78 = arith.constant 32 : index
        %get3A_79 = tpu.vector_load %arg9[%get3A_77, %get3A_78] {strides = array<i32>} : memref<80x128xf32, #tpu.memory_space<vmem>>, vector<1x16xf32>,
        %get3A_80 = vector.shape_cast %get3A_79 : vector<1x16xf32> to vector<16xf32>
        %add3A_81 = arith.addf %get3A_76, %get3A_80 : vector<16xf32>
        %max3A_82 = arith.constant 0.000000e+00 : f32
        %max3A_83 = vector.broadcast %max3A_82 : f32 to vector<16xf32>
        %max3A_84 = arith.maximumf %add3A_81, %max3A_83 : vector<16xf32>
        %swap3A_85 = arith.index_cast %scan3A_41 : i32 to index
        %swap3A_86 = arith.constant 32 : index
        %swap3A_87 = tpu.vector_load %arg9[%swap3A_85, %swap3A_86] {strides = array<i32>} : memref<80x128xf32, #tpu.memory_space<vmem>>, vector<1x16xf32>,
        %swap3A_88 = vector.shape_cast %swap3A_87 : vector<1x16xf32> to vector<16xf32>
        %swap3A_89 = vector.shape_cast %max3A_84 : vector<16xf32> to vector<1x16xf32>
        tpu.vector_store %arg9[%swap3A_85, %swap3A_86], %swap3A_89 {strides = array<i32>} : memref<80x128xf32, #tpu.memory_space<vmem>>, vector<1x16xf32>,
        %get3A_90 = arith.index_cast %scan3A_41 : i32 to index
        %get3A_91 = arith.constant 48 : index
        %get3A_92 = tpu.vector_load %arg10[%get3A_90, %get3A_91] {strides = array<i32>} : memref<80x128xf32, #tpu.memory_space<vmem>>, vector<1x16xf32>,
        %get3A_93 = vector.shape_cast %get3A_92 : vector<1x16xf32> to vector<16xf32>
        %get3A_94 = arith.index_cast %scan3A_41 : i32 to index
        %get3A_95 = arith.constant 48 : index
        %get3A_96 = tpu.vector_load %arg9[%get3A_94, %get3A_95] {strides = array<i32>} : memref<80x128xf32, #tpu.memory_space<vmem>>, vector<1x16xf32>,
        %get3A_97 = vector.shape_cast %get3A_96 : vector<1x16xf32> to vector<16xf32>
        %add3A_98 = arith.addf %get3A_93, %get3A_97 : vector<16xf32>
        %max3A_99 = arith.constant 0.000000e+00 : f32
        %max3A_100 = vector.broadcast %max3A_99 : f32 to vector<16xf32>
        %max3A_101 = arith.maximumf %add3A_98, %max3A_100 : vector<16xf32>
        %swap3A_102 = arith.index_cast %scan3A_41 : i32 to index
        %swap3A_103 = arith.constant 48 : index
        %swap3A_104 = tpu.vector_load %arg9[%swap3A_102, %swap3A_103] {strides = array<i32>} : memref<80x128xf32, #tpu.memory_space<vmem>>, vector<1x16xf32>,
        %swap3A_105 = vector.shape_cast %swap3A_104 : vector<1x16xf32> to vector<16xf32>
        %swap3A_106 = vector.shape_cast %max3A_101 : vector<16xf32> to vector<1x16xf32>
        tpu.vector_store %arg9[%swap3A_102, %swap3A_103], %swap3A_106 {strides = array<i32>} : memref<80x128xf32, #tpu.memory_space<vmem>>, vector<1x16xf32>,
        %get3A_107 = arith.index_cast %scan3A_41 : i32 to index
        %get3A_108 = arith.constant 64 : index
        %get3A_109 = tpu.vector_load %arg10[%get3A_107, %get3A_108] {strides = array<i32>} : memref<80x128xf32, #tpu.memory_space<vmem>>, vector<1x16xf32>,
        %get3A_110 = vector.shape_cast %get3A_109 : vector<1x16xf32> to vector<16xf32>
        %get3A_111 = arith.index_cast %scan3A_41 : i32 to index
        %get3A_112 = arith.constant 64 : index
        %get3A_113 = tpu.vector_load %arg9[%get3A_111, %get3A_112] {strides = array<i32>} : memref<80x128xf32, #tpu.memory_space<vmem>>, vector<1x16xf32>,
        %get3A_114 = vector.shape_cast %get3A_113 : vector<1x16xf32> to vector<16xf32>
        %add3A_115 = arith.addf %get3A_110, %get3A_114 : vector<16xf32>
        %max3A_116 = arith.constant 0.000000e+00 : f32
        %max3A_117 = vector.broadcast %max3A_116 : f32 to vector<16xf32>
        %max3A_118 = arith.maximumf %add3A_115, %max3A_117 : vector<16xf32>
        %swap3A_119 = arith.index_cast %scan3A_41 : i32 to index
        %swap3A_120 = arith.constant 64 : index
        %swap3A_121 = tpu.vector_load %arg9[%swap3A_119, %swap3A_120] {strides = array<i32>} : memref<80x128xf32, #tpu.memory_space<vmem>>, vector<1x16xf32>,
        %swap3A_122 = vector.shape_cast %swap3A_121 : vector<1x16xf32> to vector<16xf32>
        %swap3A_123 = vector.shape_cast %max3A_118 : vector<16xf32> to vector<1x16xf32>
        tpu.vector_store %arg9[%swap3A_119, %swap3A_120], %swap3A_123 {strides = array<i32>} : memref<80x128xf32, #tpu.memory_space<vmem>>, vector<1x16xf32>,
        %get3A_124 = arith.index_cast %scan3A_41 : i32 to index
        %get3A_125 = arith.constant 80 : index
        %get3A_126 = tpu.vector_load %arg10[%get3A_124, %get3A_125] {strides = array<i32>} : memref<80x128xf32, #tpu.memory_space<vmem>>, vector<1x16xf32>,
        %get3A_127 = vector.shape_cast %get3A_126 : vector<1x16xf32> to vector<16xf32>
        %get3A_128 = arith.index_cast %scan3A_41 : i32 to index
        %get3A_129 = arith.constant 80 : index
        %get3A_130 = tpu.vector_load %arg9[%get3A_128, %get3A_129] {strides = array<i32>} : memref<80x128xf32, #tpu.memory_space<vmem>>, vector<1x16xf32>,
        %get3A_131 = vector.shape_cast %get3A_130 : vector<1x16xf32> to vector<16xf32>
        %add3A_132 = arith.addf %get3A_127, %get3A_131 : vector<16xf32>
        %max3A_133 = arith.constant 0.000000e+00 : f32
        %max3A_134 = vector.broadcast %max3A_133 : f32 to vector<16xf32>
        %max3A_135 = arith.maximumf %add3A_132, %max3A_134 : vector<16xf32>
        %swap3A_136 = arith.index_cast %scan3A_41 : i32 to index
        %swap3A_137 = arith.constant 80 : index
        %swap3A_138 = tpu.vector_load %arg9[%swap3A_136, %swap3A_137] {strides = array<i32>} : memref<80x128xf32, #tpu.memory_space<vmem>>, vector<1x16xf32>,
        %swap3A_139 = vector.shape_cast %swap3A_138 : vector<1x16xf32> to vector<16xf32>
        %swap3A_140 = vector.shape_cast %max3A_135 : vector<16xf32> to vector<1x16xf32>
        tpu.vector_store %arg9[%swap3A_136, %swap3A_137], %swap3A_140 {strides = array<i32>} : memref<80x128xf32, #tpu.memory_space<vmem>>, vector<1x16xf32>,
        %get3A_141 = arith.index_cast %scan3A_41 : i32 to index
        %get3A_142 = arith.constant 96 : index
        %get3A_143 = tpu.vector_load %arg10[%get3A_141, %get3A_142] {strides = array<i32>} : memref<80x128xf32, #tpu.memory_space<vmem>>, vector<1x16xf32>,
        %get3A_144 = vector.shape_cast %get3A_143 : vector<1x16xf32> to vector<16xf32>
        %get3A_145 = arith.index_cast %scan3A_41 : i32 to index
        %get3A_146 = arith.constant 96 : index
        %get3A_147 = tpu.vector_load %arg9[%get3A_145, %get3A_146] {strides = array<i32>} : memref<80x128xf32, #tpu.memory_space<vmem>>, vector<1x16xf32>,
        %get3A_148 = vector.shape_cast %get3A_147 : vector<1x16xf32> to vector<16xf32>
        %add3A_149 = arith.addf %get3A_144, %get3A_148 : vector<16xf32>
        %max3A_150 = arith.constant 0.000000e+00 : f32
        %max3A_151 = vector.broadcast %max3A_150 : f32 to vector<16xf32>
        %max3A_152 = arith.maximumf %add3A_149, %max3A_151 : vector<16xf32>
        %swap3A_153 = arith.index_cast %scan3A_41 : i32 to index
        %swap3A_154 = arith.constant 96 : index
        %swap3A_155 = tpu.vector_load %arg9[%swap3A_153, %swap3A_154] {strides = array<i32>} : memref<80x128xf32, #tpu.memory_space<vmem>>, vector<1x16xf32>,
        %swap3A_156 = vector.shape_cast %swap3A_155 : vector<1x16xf32> to vector<16xf32>
        %swap3A_157 = vector.shape_cast %max3A_152 : vector<16xf32> to vector<1x16xf32>
        tpu.vector_store %arg9[%swap3A_153, %swap3A_154], %swap3A_157 {strides = array<i32>} : memref<80x128xf32, #tpu.memory_space<vmem>>, vector<1x16xf32>,
        %get3A_158 = arith.index_cast %scan3A_41 : i32 to index
        %get3A_159 = arith.constant 112 : index
        %get3A_160 = tpu.vector_load %arg10[%get3A_158, %get3A_159] {strides = array<i32>} : memref<80x128xf32, #tpu.memory_space<vmem>>, vector<1x16xf32>,
        %get3A_161 = vector.shape_cast %get3A_160 : vector<1x16xf32> to vector<16xf32>
        %get3A_162 = arith.index_cast %scan3A_41 : i32 to index
        %get3A_163 = arith.constant 112 : index
        %get3A_164 = tpu.vector_load %arg9[%get3A_162, %get3A_163] {strides = array<i32>} : memref<80x128xf32, #tpu.memory_space<vmem>>, vector<1x16xf32>,
        %get3A_165 = vector.shape_cast %get3A_164 : vector<1x16xf32> to vector<16xf32>
        %add3A_166 = arith.addf %get3A_161, %get3A_165 : vector<16xf32>
        %max3A_167 = arith.constant 0.000000e+00 : f32
        %max3A_168 = vector.broadcast %max3A_167 : f32 to vector<16xf32>
        %max3A_169 = arith.maximumf %add3A_166, %max3A_168 : vector<16xf32>
        %swap3A_170 = arith.index_cast %scan3A_41 : i32 to index
        %swap3A_171 = arith.constant 112 : index
        %swap3A_172 = tpu.vector_load %arg9[%swap3A_170, %swap3A_171] {strides = array<i32>} : memref<80x128xf32, #tpu.memory_space<vmem>>, vector<1x16xf32>,
        %swap3A_173 = vector.shape_cast %swap3A_172 : vector<1x16xf32> to vector<16xf32>
        %swap3A_174 = vector.shape_cast %max3A_169 : vector<16xf32> to vector<1x16xf32>
        tpu.vector_store %arg9[%swap3A_170, %swap3A_171], %swap3A_174 {strides = array<i32>} : memref<80x128xf32, #tpu.memory_space<vmem>>, vector<1x16xf32>,
      }
      %scan3A_40 = arith.constant 80 : i32
      "tpu.region"() ({
        %run_scoped3A = tpu.sem_alloc : memref<!tpu.dma_semaphore, #tpu.memory_space<semaphore_mem>>
        %dma_start3A_41 = arith.constant 0 : i32
        %dma_start3A_42 = arith.constant 0 : i32
        %dma_start3A_43 = tpu.memref_slice %arg7[%dma_start3A_41, %dma_start3A_42] : memref<10240x128xf32, #tpu.memory_space<vmem_shared>> -> memref<10240x128xf32, #tpu.memory_space<vmem_shared>>
        tpu.enqueue_indirect_dma source(%arg9 : memref<80x128xf32, #tpu.memory_space<vmem>>) target(%dma_start3A_43 : memref<10240x128xf32, #tpu.memory_space<vmem_shared>>) offsets(%arg8 : memref<80xi32, #tpu.memory_space<vmem>>) semaphore(%run_scoped3A : memref<!tpu.dma_semaphore, #tpu.memory_space<semaphore_mem>>) {add = true}
        %dma_wait3A_44 = arith.constant 0 : i32
        %dma_wait3A_45 = arith.constant 0 : i32
        %dma_wait3A_46 = tpu.memref_slice %arg7[%dma_wait3A_44, %dma_wait3A_45] : memref<10240x128xf32, #tpu.memory_space<vmem_shared>> -> memref<10240x128xf32, #tpu.memory_space<vmem_shared>>
        tpu.wait_indirect_dma semaphore(%run_scoped3A : memref<!tpu.dma_semaphore, #tpu.memory_space<semaphore_mem>>) src(%arg9 : memref<80x128xf32, #tpu.memory_space<vmem>>) dst(%dma_wait3A_46 : memref<10240x128xf32, #tpu.memory_space<vmem_shared>>)
        tpu.yield
      }) : () -> ()
    }
    %scan3A_25 = arith.constant 125 : i32
    %barrier3A_26 = arith.constant 0 : index
    tpu.barrier barrier_id(%barrier3A_26)
    "tpu.region"() ({
      %run_scoped3A = tpu.sem_alloc : memref<!tpu.dma_semaphore, #tpu.memory_space<semaphore_mem>>
      %dma_start3A = arith.constant 0 : i32
      %dma_start3A_27 = tpu.memref_slice %arg6[%arg0, %mul3A_7, %dma_start3A] : memref<2x10240x128xf32, #tpu.memory_space<hbm>> -> memref<1x640x128xf32, #tpu.memory_space<hbm>>
      %dma_start3A_28 = tpu.memref_squeeze %dma_start3A_27 : memref<1x640x128xf32, #tpu.memory_space<hbm>> -> memref<640x128xf32, #tpu.memory_space<hbm>>
      %dma_start3A_29 = arith.constant 0 : i32
      %dma_start3A_30 = tpu.memref_slice %arg7[%mul3A_7, %dma_start3A_29] : memref<10240x128xf32, #tpu.memory_space<vmem_shared>> -> memref<640x128xf32, #tpu.memory_space<vmem_shared>>
      tpu.enqueue_dma source(%dma_start3A_30 : memref<640x128xf32, #tpu.memory_space<vmem_shared>>) target(%dma_start3A_28 : memref<640x128xf32, #tpu.memory_space<hbm>>) target_semaphore(%run_scoped3A : memref<!tpu.dma_semaphore, #tpu.memory_space<semaphore_mem>>)
      %dma_wait3A = arith.constant 0 : i32
      %dma_wait3A_31 = tpu.memref_slice %arg6[%arg0, %mul3A_7, %dma_wait3A] : memref<2x10240x128xf32, #tpu.memory_space<hbm>> -> memref<1x640x128xf32, #tpu.memory_space<hbm>>
      %dma_wait3A_32 = tpu.memref_squeeze %dma_wait3A_31 : memref<1x640x128xf32, #tpu.memory_space<hbm>> -> memref<640x128xf32, #tpu.memory_space<hbm>>
      %dma_wait3A_33 = arith.constant 0 : i32
      %dma_wait3A_34 = tpu.memref_slice %arg7[%mul3A_7, %dma_wait3A_33] : memref<10240x128xf32, #tpu.memory_space<vmem_shared>> -> memref<640x128xf32, #tpu.memory_space<vmem_shared>>
      tpu.wait_dma2 semaphore(%run_scoped3A : memref<!tpu.dma_semaphore, #tpu.memory_space<semaphore_mem>>) src(%dma_wait3A_34 : memref<640x128xf32, #tpu.memory_space<vmem_shared>>) dst(%dma_wait3A_32 : memref<640x128xf32, #tpu.memory_space<hbm>>)
      tpu.yield
    }) : () -> ()
    return
  }
}

#map = affine_map<(d0, d1) -> (0, 0)>
#map1 = affine_map<(d0, d1) -> (0)>
#map2 = affine_map<(d0, d1) -> (0, 0, 0)>
module attributes {stable_mosaic.version = 14 : i64} {
  func.func @sc_msgpass(%arg0: i32, %arg1: i32, %arg2: memref<10000x128xf32, #tpu.memory_space<hbm>>, %arg3: memref<320000xi32, #tpu.memory_space<hbm>>, %arg4: memref<320000xi32, #tpu.memory_space<hbm>>, %arg5: memref<320000x128xf32, #tpu.memory_space<hbm>>, %arg6: memref<2x10240x128xf32, #tpu.memory_space<hbm>>, %arg7: memref<10240x128xf32, #tpu.memory_space<vmem_shared>>, %arg8: memref<80xi32, #tpu.memory_space<vmem>>, %arg9: memref<80x128xf32, #tpu.memory_space<vmem>>, %arg10: memref<80x128xf32, #tpu.memory_space<vmem>>, %arg11: memref<!tpu.dma_semaphore, #tpu.memory_space<semaphore_mem>>, %arg12: memref<80xi32, #tpu.memory_space<vmem>>, %arg13: memref<128x128xf32, #tpu.memory_space<vmem>>) attributes {dimension_semantics = [#tpu.dimension_semantics<core_parallel>, #tpu.dimension_semantics<subcore_parallel>], iteration_bounds = array<i64: 2, 16>, scalar_prefetch = 0 : i64, scratch_operands = 7 : i64, tpu.core_type = #tpu.core_type<sc_vector_subcore>, window_params = [{transform_indices = #map}, {transform_indices = #map1}, {transform_indices = #map1}, {transform_indices = #map}, {transform_indices = #map2}]} {
    %mul3A = arith.constant 16 : i32
    %mul3A_0 = arith.muli %arg0, %mul3A : i32
    %add3A = arith.addi %mul3A_0, %arg1 : i32
    %scan3A = arith.constant 0 : i32
    %scan3A_1 = arith.constant 0 : i32
    %scan3A_2 = arith.constant 128 : i32
    %scan3A_3 = arith.addi %scan3A_1, %scan3A_2 : i32
    %scan3A_4 = arith.constant 1 : i32
    scf.for %scan3A_27 = %scan3A_1 to %scan3A_3 step %scan3A_4  : i32 {
      %broadcast_in_dim3A = arith.constant 0.000000e+00 : f32
      %broadcast_in_dim3A_28 = vector.broadcast %broadcast_in_dim3A : f32 to vector<16xf32>
      %swap3A = arith.index_cast %scan3A_27 : i32 to index
      %swap3A_29 = arith.constant 0 : index
      %swap3A_30 = tpu.vector_load %arg13[%swap3A, %swap3A_29] {strides = array<i32>} : memref<128x128xf32, #tpu.memory_space<vmem>>, vector<1x16xf32>,
      %swap3A_31 = vector.shape_cast %swap3A_30 : vector<1x16xf32> to vector<16xf32>
      %swap3A_32 = vector.shape_cast %broadcast_in_dim3A_28 : vector<16xf32> to vector<1x16xf32>
      tpu.vector_store %arg13[%swap3A, %swap3A_29], %swap3A_32 {strides = array<i32>} : memref<128x128xf32, #tpu.memory_space<vmem>>, vector<1x16xf32>,
      %broadcast_in_dim3A_33 = arith.constant 0.000000e+00 : f32
      %broadcast_in_dim3A_34 = vector.broadcast %broadcast_in_dim3A_33 : f32 to vector<16xf32>
      %swap3A_35 = arith.index_cast %scan3A_27 : i32 to index
      %swap3A_36 = arith.constant 16 : index
      %swap3A_37 = tpu.vector_load %arg13[%swap3A_35, %swap3A_36] {strides = array<i32>} : memref<128x128xf32, #tpu.memory_space<vmem>>, vector<1x16xf32>,
      %swap3A_38 = vector.shape_cast %swap3A_37 : vector<1x16xf32> to vector<16xf32>
      %swap3A_39 = vector.shape_cast %broadcast_in_dim3A_34 : vector<16xf32> to vector<1x16xf32>
      tpu.vector_store %arg13[%swap3A_35, %swap3A_36], %swap3A_39 {strides = array<i32>} : memref<128x128xf32, #tpu.memory_space<vmem>>, vector<1x16xf32>,
      %broadcast_in_dim3A_40 = arith.constant 0.000000e+00 : f32
      %broadcast_in_dim3A_41 = vector.broadcast %broadcast_in_dim3A_40 : f32 to vector<16xf32>
      %swap3A_42 = arith.index_cast %scan3A_27 : i32 to index
      %swap3A_43 = arith.constant 32 : index
      %swap3A_44 = tpu.vector_load %arg13[%swap3A_42, %swap3A_43] {strides = array<i32>} : memref<128x128xf32, #tpu.memory_space<vmem>>, vector<1x16xf32>,
      %swap3A_45 = vector.shape_cast %swap3A_44 : vector<1x16xf32> to vector<16xf32>
      %swap3A_46 = vector.shape_cast %broadcast_in_dim3A_41 : vector<16xf32> to vector<1x16xf32>
      tpu.vector_store %arg13[%swap3A_42, %swap3A_43], %swap3A_46 {strides = array<i32>} : memref<128x128xf32, #tpu.memory_space<vmem>>, vector<1x16xf32>,
      %broadcast_in_dim3A_47 = arith.constant 0.000000e+00 : f32
      %broadcast_in_dim3A_48 = vector.broadcast %broadcast_in_dim3A_47 : f32 to vector<16xf32>
      %swap3A_49 = arith.index_cast %scan3A_27 : i32 to index
      %swap3A_50 = arith.constant 48 : index
      %swap3A_51 = tpu.vector_load %arg13[%swap3A_49, %swap3A_50] {strides = array<i32>} : memref<128x128xf32, #tpu.memory_space<vmem>>, vector<1x16xf32>,
      %swap3A_52 = vector.shape_cast %swap3A_51 : vector<1x16xf32> to vector<16xf32>
      %swap3A_53 = vector.shape_cast %broadcast_in_dim3A_48 : vector<16xf32> to vector<1x16xf32>
      tpu.vector_store %arg13[%swap3A_49, %swap3A_50], %swap3A_53 {strides = array<i32>} : memref<128x128xf32, #tpu.memory_space<vmem>>, vector<1x16xf32>,
      %broadcast_in_dim3A_54 = arith.constant 0.000000e+00 : f32
      %broadcast_in_dim3A_55 = vector.broadcast %broadcast_in_dim3A_54 : f32 to vector<16xf32>
      %swap3A_56 = arith.index_cast %scan3A_27 : i32 to index
      %swap3A_57 = arith.constant 64 : index
      %swap3A_58 = tpu.vector_load %arg13[%swap3A_56, %swap3A_57] {strides = array<i32>} : memref<128x128xf32, #tpu.memory_space<vmem>>, vector<1x16xf32>,
      %swap3A_59 = vector.shape_cast %swap3A_58 : vector<1x16xf32> to vector<16xf32>
      %swap3A_60 = vector.shape_cast %broadcast_in_dim3A_55 : vector<16xf32> to vector<1x16xf32>
      tpu.vector_store %arg13[%swap3A_56, %swap3A_57], %swap3A_60 {strides = array<i32>} : memref<128x128xf32, #tpu.memory_space<vmem>>, vector<1x16xf32>,
      %broadcast_in_dim3A_61 = arith.constant 0.000000e+00 : f32
      %broadcast_in_dim3A_62 = vector.broadcast %broadcast_in_dim3A_61 : f32 to vector<16xf32>
      %swap3A_63 = arith.index_cast %scan3A_27 : i32 to index
      %swap3A_64 = arith.constant 80 : index
      %swap3A_65 = tpu.vector_load %arg13[%swap3A_63, %swap3A_64] {strides = array<i32>} : memref<128x128xf32, #tpu.memory_space<vmem>>, vector<1x16xf32>,
      %swap3A_66 = vector.shape_cast %swap3A_65 : vector<1x16xf32> to vector<16xf32>
      %swap3A_67 = vector.shape_cast %broadcast_in_dim3A_62 : vector<16xf32> to vector<1x16xf32>
      tpu.vector_store %arg13[%swap3A_63, %swap3A_64], %swap3A_67 {strides = array<i32>} : memref<128x128xf32, #tpu.memory_space<vmem>>, vector<1x16xf32>,
      %broadcast_in_dim3A_68 = arith.constant 0.000000e+00 : f32
      %broadcast_in_dim3A_69 = vector.broadcast %broadcast_in_dim3A_68 : f32 to vector<16xf32>
      %swap3A_70 = arith.index_cast %scan3A_27 : i32 to index
      %swap3A_71 = arith.constant 96 : index
      %swap3A_72 = tpu.vector_load %arg13[%swap3A_70, %swap3A_71] {strides = array<i32>} : memref<128x128xf32, #tpu.memory_space<vmem>>, vector<1x16xf32>,
      %swap3A_73 = vector.shape_cast %swap3A_72 : vector<1x16xf32> to vector<16xf32>
      %swap3A_74 = vector.shape_cast %broadcast_in_dim3A_69 : vector<16xf32> to vector<1x16xf32>
      tpu.vector_store %arg13[%swap3A_70, %swap3A_71], %swap3A_74 {strides = array<i32>} : memref<128x128xf32, #tpu.memory_space<vmem>>, vector<1x16xf32>,
      %broadcast_in_dim3A_75 = arith.constant 0.000000e+00 : f32
      %broadcast_in_dim3A_76 = vector.broadcast %broadcast_in_dim3A_75 : f32 to vector<16xf32>
      %swap3A_77 = arith.index_cast %scan3A_27 : i32 to index
      %swap3A_78 = arith.constant 112 : index
      %swap3A_79 = tpu.vector_load %arg13[%swap3A_77, %swap3A_78] {strides = array<i32>} : memref<128x128xf32, #tpu.memory_space<vmem>>, vector<1x16xf32>,
      %swap3A_80 = vector.shape_cast %swap3A_79 : vector<1x16xf32> to vector<16xf32>
      %swap3A_81 = vector.shape_cast %broadcast_in_dim3A_76 : vector<16xf32> to vector<1x16xf32>
      tpu.vector_store %arg13[%swap3A_77, %swap3A_78], %swap3A_81 {strides = array<i32>} : memref<128x128xf32, #tpu.memory_space<vmem>>, vector<1x16xf32>,
    }
    %scan3A_5 = arith.constant 128 : i32
    %mul3A_6 = arith.constant 640 : i32
    %mul3A_7 = arith.muli %arg1, %mul3A_6 : i32
    %add3A_8 = arith.constant 0 : i32
    %add3A_9 = arith.addi %mul3A_7, %add3A_8 : i32
    "tpu.region"() ({
      %run_scoped3A = tpu.sem_alloc : memref<!tpu.dma_semaphore, #tpu.memory_space<semaphore_mem>>
      %dma_start3A = arith.constant 0 : i32
      %dma_start3A_27 = tpu.memref_slice %arg7[%add3A_9, %dma_start3A] : memref<10240x128xf32, #tpu.memory_space<vmem_shared>> -> memref<128x128xf32, #tpu.memory_space<vmem_shared>>
      %dma_start3A_28 = arith.constant 0 : i32
      %dma_start3A_29 = tpu.memref_slice %arg7[%add3A_9, %dma_start3A_28] : memref<10240x128xf32, #tpu.memory_space<vmem_shared>> -> memref<128x128xf32, #tpu.memory_space<vmem_shared>>
      tpu.enqueue_dma source(%arg13 : memref<128x128xf32, #tpu.memory_space<vmem>>) target(%dma_start3A_29 : memref<128x128xf32, #tpu.memory_space<vmem_shared>>) target_semaphore(%run_scoped3A : memref<!tpu.dma_semaphore, #tpu.memory_space<semaphore_mem>>)
      %dma_wait3A = arith.constant 0 : i32
      %dma_wait3A_30 = tpu.memref_slice %arg7[%add3A_9, %dma_wait3A] : memref<10240x128xf32, #tpu.memory_space<vmem_shared>> -> memref<128x128xf32, #tpu.memory_space<vmem_shared>>
      %dma_wait3A_31 = arith.constant 0 : i32
      %dma_wait3A_32 = tpu.memref_slice %arg7[%add3A_9, %dma_wait3A_31] : memref<10240x128xf32, #tpu.memory_space<vmem_shared>> -> memref<128x128xf32, #tpu.memory_space<vmem_shared>>
      tpu.wait_dma2 semaphore(%run_scoped3A : memref<!tpu.dma_semaphore, #tpu.memory_space<semaphore_mem>>) src(%arg13 : memref<128x128xf32, #tpu.memory_space<vmem>>) dst(%dma_wait3A_32 : memref<128x128xf32, #tpu.memory_space<vmem_shared>>)
      tpu.yield
    }) : () -> ()
    %add3A_10 = arith.constant 128 : i32
    %add3A_11 = arith.addi %mul3A_7, %add3A_10 : i32
    "tpu.region"() ({
      %run_scoped3A = tpu.sem_alloc : memref<!tpu.dma_semaphore, #tpu.memory_space<semaphore_mem>>
      %dma_start3A = arith.constant 0 : i32
      %dma_start3A_27 = tpu.memref_slice %arg7[%add3A_11, %dma_start3A] : memref<10240x128xf32, #tpu.memory_space<vmem_shared>> -> memref<128x128xf32, #tpu.memory_space<vmem_shared>>
      %dma_start3A_28 = arith.constant 0 : i32
      %dma_start3A_29 = tpu.memref_slice %arg7[%add3A_11, %dma_start3A_28] : memref<10240x128xf32, #tpu.memory_space<vmem_shared>> -> memref<128x128xf32, #tpu.memory_space<vmem_shared>>
      tpu.enqueue_dma source(%arg13 : memref<128x128xf32, #tpu.memory_space<vmem>>) target(%dma_start3A_29 : memref<128x128xf32, #tpu.memory_space<vmem_shared>>) target_semaphore(%run_scoped3A : memref<!tpu.dma_semaphore, #tpu.memory_space<semaphore_mem>>)
      %dma_wait3A = arith.constant 0 : i32
      %dma_wait3A_30 = tpu.memref_slice %arg7[%add3A_11, %dma_wait3A] : memref<10240x128xf32, #tpu.memory_space<vmem_shared>> -> memref<128x128xf32, #tpu.memory_space<vmem_shared>>
      %dma_wait3A_31 = arith.constant 0 : i32
      %dma_wait3A_32 = tpu.memref_slice %arg7[%add3A_11, %dma_wait3A_31] : memref<10240x128xf32, #tpu.memory_space<vmem_shared>> -> memref<128x128xf32, #tpu.memory_space<vmem_shared>>
      tpu.wait_dma2 semaphore(%run_scoped3A : memref<!tpu.dma_semaphore, #tpu.memory_space<semaphore_mem>>) src(%arg13 : memref<128x128xf32, #tpu.memory_space<vmem>>) dst(%dma_wait3A_32 : memref<128x128xf32, #tpu.memory_space<vmem_shared>>)
      tpu.yield
    }) : () -> ()
    %add3A_12 = arith.constant 256 : i32
    %add3A_13 = arith.addi %mul3A_7, %add3A_12 : i32
    "tpu.region"() ({
      %run_scoped3A = tpu.sem_alloc : memref<!tpu.dma_semaphore, #tpu.memory_space<semaphore_mem>>
      %dma_start3A = arith.constant 0 : i32
      %dma_start3A_27 = tpu.memref_slice %arg7[%add3A_13, %dma_start3A] : memref<10240x128xf32, #tpu.memory_space<vmem_shared>> -> memref<128x128xf32, #tpu.memory_space<vmem_shared>>
      %dma_start3A_28 = arith.constant 0 : i32
      %dma_start3A_29 = tpu.memref_slice %arg7[%add3A_13, %dma_start3A_28] : memref<10240x128xf32, #tpu.memory_space<vmem_shared>> -> memref<128x128xf32, #tpu.memory_space<vmem_shared>>
      tpu.enqueue_dma source(%arg13 : memref<128x128xf32, #tpu.memory_space<vmem>>) target(%dma_start3A_29 : memref<128x128xf32, #tpu.memory_space<vmem_shared>>) target_semaphore(%run_scoped3A : memref<!tpu.dma_semaphore, #tpu.memory_space<semaphore_mem>>)
      %dma_wait3A = arith.constant 0 : i32
      %dma_wait3A_30 = tpu.memref_slice %arg7[%add3A_13, %dma_wait3A] : memref<10240x128xf32, #tpu.memory_space<vmem_shared>> -> memref<128x128xf32, #tpu.memory_space<vmem_shared>>
      %dma_wait3A_31 = arith.constant 0 : i32
      %dma_wait3A_32 = tpu.memref_slice %arg7[%add3A_13, %dma_wait3A_31] : memref<10240x128xf32, #tpu.memory_space<vmem_shared>> -> memref<128x128xf32, #tpu.memory_space<vmem_shared>>
      tpu.wait_dma2 semaphore(%run_scoped3A : memref<!tpu.dma_semaphore, #tpu.memory_space<semaphore_mem>>) src(%arg13 : memref<128x128xf32, #tpu.memory_space<vmem>>) dst(%dma_wait3A_32 : memref<128x128xf32, #tpu.memory_space<vmem_shared>>)
      tpu.yield
    }) : () -> ()
    %add3A_14 = arith.constant 384 : i32
    %add3A_15 = arith.addi %mul3A_7, %add3A_14 : i32
    "tpu.region"() ({
      %run_scoped3A = tpu.sem_alloc : memref<!tpu.dma_semaphore, #tpu.memory_space<semaphore_mem>>
      %dma_start3A = arith.constant 0 : i32
      %dma_start3A_27 = tpu.memref_slice %arg7[%add3A_15, %dma_start3A] : memref<10240x128xf32, #tpu.memory_space<vmem_shared>> -> memref<128x128xf32, #tpu.memory_space<vmem_shared>>
      %dma_start3A_28 = arith.constant 0 : i32
      %dma_start3A_29 = tpu.memref_slice %arg7[%add3A_15, %dma_start3A_28] : memref<10240x128xf32, #tpu.memory_space<vmem_shared>> -> memref<128x128xf32, #tpu.memory_space<vmem_shared>>
      tpu.enqueue_dma source(%arg13 : memref<128x128xf32, #tpu.memory_space<vmem>>) target(%dma_start3A_29 : memref<128x128xf32, #tpu.memory_space<vmem_shared>>) target_semaphore(%run_scoped3A : memref<!tpu.dma_semaphore, #tpu.memory_space<semaphore_mem>>)
      %dma_wait3A = arith.constant 0 : i32
      %dma_wait3A_30 = tpu.memref_slice %arg7[%add3A_15, %dma_wait3A] : memref<10240x128xf32, #tpu.memory_space<vmem_shared>> -> memref<128x128xf32, #tpu.memory_space<vmem_shared>>
      %dma_wait3A_31 = arith.constant 0 : i32
      %dma_wait3A_32 = tpu.memref_slice %arg7[%add3A_15, %dma_wait3A_31] : memref<10240x128xf32, #tpu.memory_space<vmem_shared>> -> memref<128x128xf32, #tpu.memory_space<vmem_shared>>
      tpu.wait_dma2 semaphore(%run_scoped3A : memref<!tpu.dma_semaphore, #tpu.memory_space<semaphore_mem>>) src(%arg13 : memref<128x128xf32, #tpu.memory_space<vmem>>) dst(%dma_wait3A_32 : memref<128x128xf32, #tpu.memory_space<vmem_shared>>)
      tpu.yield
    }) : () -> ()
    %add3A_16 = arith.constant 512 : i32
    %add3A_17 = arith.addi %mul3A_7, %add3A_16 : i32
    "tpu.region"() ({
      %run_scoped3A = tpu.sem_alloc : memref<!tpu.dma_semaphore, #tpu.memory_space<semaphore_mem>>
      %dma_start3A = arith.constant 0 : i32
      %dma_start3A_27 = tpu.memref_slice %arg7[%add3A_17, %dma_start3A] : memref<10240x128xf32, #tpu.memory_space<vmem_shared>> -> memref<128x128xf32, #tpu.memory_space<vmem_shared>>
      %dma_start3A_28 = arith.constant 0 : i32
      %dma_start3A_29 = tpu.memref_slice %arg7[%add3A_17, %dma_start3A_28] : memref<10240x128xf32, #tpu.memory_space<vmem_shared>> -> memref<128x128xf32, #tpu.memory_space<vmem_shared>>
      tpu.enqueue_dma source(%arg13 : memref<128x128xf32, #tpu.memory_space<vmem>>) target(%dma_start3A_29 : memref<128x128xf32, #tpu.memory_space<vmem_shared>>) target_semaphore(%run_scoped3A : memref<!tpu.dma_semaphore, #tpu.memory_space<semaphore_mem>>)
      %dma_wait3A = arith.constant 0 : i32
      %dma_wait3A_30 = tpu.memref_slice %arg7[%add3A_17, %dma_wait3A] : memref<10240x128xf32, #tpu.memory_space<vmem_shared>> -> memref<128x128xf32, #tpu.memory_space<vmem_shared>>
      %dma_wait3A_31 = arith.constant 0 : i32
      %dma_wait3A_32 = tpu.memref_slice %arg7[%add3A_17, %dma_wait3A_31] : memref<10240x128xf32, #tpu.memory_space<vmem_shared>> -> memref<128x128xf32, #tpu.memory_space<vmem_shared>>
      tpu.wait_dma2 semaphore(%run_scoped3A : memref<!tpu.dma_semaphore, #tpu.memory_space<semaphore_mem>>) src(%arg13 : memref<128x128xf32, #tpu.memory_space<vmem>>) dst(%dma_wait3A_32 : memref<128x128xf32, #tpu.memory_space<vmem_shared>>)
      tpu.yield
    }) : () -> ()
    %barrier3A = arith.constant 0 : index
    tpu.barrier barrier_id(%barrier3A)
    %mul3A_18 = arith.constant 10000 : i32
    %mul3A_19 = arith.muli %add3A, %mul3A_18 : i32
    %scan3A_20 = arith.constant 0 : i32
    %scan3A_21 = arith.constant 0 : i32
    %scan3A_22 = arith.constant 125 : i32
    %scan3A_23 = arith.addi %scan3A_21, %scan3A_22 : i32
    %scan3A_24 = arith.constant 1 : i32
    scf.for %scan3A_27 = %scan3A_21 to %scan3A_23 step %scan3A_24  : i32 {
      %mul3A_28 = arith.constant 80 : i32
      %mul3A_29 = arith.muli %scan3A_27, %mul3A_28 : i32
      %add3A_30 = arith.addi %mul3A_19, %mul3A_29 : i32
      "tpu.region"() ({
        %run_scoped3A = tpu.sem_alloc : memref<!tpu.dma_semaphore, #tpu.memory_space<semaphore_mem>>
        %dma_start3A_41 = tpu.memref_slice %arg3[%add3A_30] : memref<320000xi32, #tpu.memory_space<hbm>> -> memref<80xi32, #tpu.memory_space<hbm>>
        %dma_start3A_42 = tpu.memref_slice %arg3[%add3A_30] : memref<320000xi32, #tpu.memory_space<hbm>> -> memref<80xi32, #tpu.memory_space<hbm>>
        tpu.enqueue_dma source(%dma_start3A_42 : memref<80xi32, #tpu.memory_space<hbm>>) target(%arg12 : memref<80xi32, #tpu.memory_space<vmem>>) target_semaphore(%run_scoped3A : memref<!tpu.dma_semaphore, #tpu.memory_space<semaphore_mem>>)
        %dma_wait3A_43 = tpu.memref_slice %arg3[%add3A_30] : memref<320000xi32, #tpu.memory_space<hbm>> -> memref<80xi32, #tpu.memory_space<hbm>>
        %dma_wait3A_44 = tpu.memref_slice %arg3[%add3A_30] : memref<320000xi32, #tpu.memory_space<hbm>> -> memref<80xi32, #tpu.memory_space<hbm>>
        tpu.wait_dma2 semaphore(%run_scoped3A : memref<!tpu.dma_semaphore, #tpu.memory_space<semaphore_mem>>) src(%dma_wait3A_44 : memref<80xi32, #tpu.memory_space<hbm>>) dst(%arg12 : memref<80xi32, #tpu.memory_space<vmem>>)
        tpu.yield
      }) : () -> ()
      "tpu.region"() ({
        %run_scoped3A = tpu.sem_alloc : memref<!tpu.dma_semaphore, #tpu.memory_space<semaphore_mem>>
        %dma_start3A_41 = tpu.memref_slice %arg4[%add3A_30] : memref<320000xi32, #tpu.memory_space<hbm>> -> memref<80xi32, #tpu.memory_space<hbm>>
        %dma_start3A_42 = tpu.memref_slice %arg4[%add3A_30] : memref<320000xi32, #tpu.memory_space<hbm>> -> memref<80xi32, #tpu.memory_space<hbm>>
        tpu.enqueue_dma source(%dma_start3A_42 : memref<80xi32, #tpu.memory_space<hbm>>) target(%arg8 : memref<80xi32, #tpu.memory_space<vmem>>) target_semaphore(%run_scoped3A : memref<!tpu.dma_semaphore, #tpu.memory_space<semaphore_mem>>)
        %dma_wait3A_43 = tpu.memref_slice %arg4[%add3A_30] : memref<320000xi32, #tpu.memory_space<hbm>> -> memref<80xi32, #tpu.memory_space<hbm>>
        %dma_wait3A_44 = tpu.memref_slice %arg4[%add3A_30] : memref<320000xi32, #tpu.memory_space<hbm>> -> memref<80xi32, #tpu.memory_space<hbm>>
        tpu.wait_dma2 semaphore(%run_scoped3A : memref<!tpu.dma_semaphore, #tpu.memory_space<semaphore_mem>>) src(%dma_wait3A_44 : memref<80xi32, #tpu.memory_space<hbm>>) dst(%arg8 : memref<80xi32, #tpu.memory_space<vmem>>)
        tpu.yield
      }) : () -> ()
      "tpu.region"() ({
        %run_scoped3A = tpu.sem_alloc : memref<!tpu.dma_semaphore, #tpu.memory_space<semaphore_mem>>
        %dma_start3A_41 = arith.constant 0 : i32
        %dma_start3A_42 = tpu.memref_slice %arg5[%add3A_30, %dma_start3A_41] : memref<320000x128xf32, #tpu.memory_space<hbm>> -> memref<80x128xf32, #tpu.memory_space<hbm>>
        %dma_start3A_43 = arith.constant 0 : i32
        %dma_start3A_44 = tpu.memref_slice %arg5[%add3A_30, %dma_start3A_43] : memref<320000x128xf32, #tpu.memory_space<hbm>> -> memref<80x128xf32, #tpu.memory_space<hbm>>
        tpu.enqueue_dma source(%dma_start3A_44 : memref<80x128xf32, #tpu.memory_space<hbm>>) target(%arg9 : memref<80x128xf32, #tpu.memory_space<vmem>>) target_semaphore(%run_scoped3A : memref<!tpu.dma_semaphore, #tpu.memory_space<semaphore_mem>>)
        %dma_wait3A_45 = arith.constant 0 : i32
        %dma_wait3A_46 = tpu.memref_slice %arg5[%add3A_30, %dma_wait3A_45] : memref<320000x128xf32, #tpu.memory_space<hbm>> -> memref<80x128xf32, #tpu.memory_space<hbm>>
        %dma_wait3A_47 = arith.constant 0 : i32
        %dma_wait3A_48 = tpu.memref_slice %arg5[%add3A_30, %dma_wait3A_47] : memref<320000x128xf32, #tpu.memory_space<hbm>> -> memref<80x128xf32, #tpu.memory_space<hbm>>
        tpu.wait_dma2 semaphore(%run_scoped3A : memref<!tpu.dma_semaphore, #tpu.memory_space<semaphore_mem>>) src(%dma_wait3A_48 : memref<80x128xf32, #tpu.memory_space<hbm>>) dst(%arg9 : memref<80x128xf32, #tpu.memory_space<vmem>>)
        tpu.yield
      }) : () -> ()
      %dma_start3A = arith.constant 0 : i32
      %dma_start3A_31 = arith.constant 0 : i32
      %dma_start3A_32 = tpu.memref_slice %arg2[%dma_start3A, %dma_start3A_31] : memref<10000x128xf32, #tpu.memory_space<hbm>> -> memref<10000x128xf32, #tpu.memory_space<hbm>>
      tpu.enqueue_indirect_dma source(%dma_start3A_32 : memref<10000x128xf32, #tpu.memory_space<hbm>>) target(%arg10 : memref<80x128xf32, #tpu.memory_space<vmem>>) offsets(%arg12 : memref<80xi32, #tpu.memory_space<vmem>>) semaphore(%arg11 : memref<!tpu.dma_semaphore, #tpu.memory_space<semaphore_mem>>)
      %dma_wait3A = arith.constant 0 : i32
      %dma_wait3A_33 = arith.constant 0 : i32
      %dma_wait3A_34 = tpu.memref_slice %arg2[%dma_wait3A, %dma_wait3A_33] : memref<10000x128xf32, #tpu.memory_space<hbm>> -> memref<10000x128xf32, #tpu.memory_space<hbm>>
      tpu.wait_indirect_dma semaphore(%arg11 : memref<!tpu.dma_semaphore, #tpu.memory_space<semaphore_mem>>) src(%dma_wait3A_34 : memref<10000x128xf32, #tpu.memory_space<hbm>>) dst(%arg10 : memref<80x128xf32, #tpu.memory_space<vmem>>)
      %scan3A_35 = arith.constant 0 : i32
      %scan3A_36 = arith.constant 0 : i32
      %scan3A_37 = arith.constant 80 : i32
      %scan3A_38 = arith.addi %scan3A_36, %scan3A_37 : i32
      %scan3A_39 = arith.constant 1 : i32
      scf.for %scan3A_41 = %scan3A_36 to %scan3A_38 step %scan3A_39  : i32 {
        %get3A = arith.index_cast %scan3A_41 : i32 to index
        %get3A_42 = arith.constant 0 : index
        %get3A_43 = tpu.vector_load %arg10[%get3A, %get3A_42] {strides = array<i32>} : memref<80x128xf32, #tpu.memory_space<vmem>>, vector<1x16xf32>,
        %get3A_44 = vector.shape_cast %get3A_43 : vector<1x16xf32> to vector<16xf32>
        %get3A_45 = arith.index_cast %scan3A_41 : i32 to index
        %get3A_46 = arith.constant 0 : index
        %get3A_47 = tpu.vector_load %arg9[%get3A_45, %get3A_46] {strides = array<i32>} : memref<80x128xf32, #tpu.memory_space<vmem>>, vector<1x16xf32>,
        %get3A_48 = vector.shape_cast %get3A_47 : vector<1x16xf32> to vector<16xf32>
        %add3A_49 = arith.addf %get3A_44, %get3A_48 : vector<16xf32>
        %max3A = arith.constant 0.000000e+00 : f32
        %max3A_50 = vector.broadcast %max3A : f32 to vector<16xf32>
        %max3A_51 = arith.maximumf %add3A_49, %max3A_50 : vector<16xf32>
        %swap3A = arith.index_cast %scan3A_41 : i32 to index
        %swap3A_52 = arith.constant 0 : index
        %swap3A_53 = tpu.vector_load %arg9[%swap3A, %swap3A_52] {strides = array<i32>} : memref<80x128xf32, #tpu.memory_space<vmem>>, vector<1x16xf32>,
        %swap3A_54 = vector.shape_cast %swap3A_53 : vector<1x16xf32> to vector<16xf32>
        %swap3A_55 = vector.shape_cast %max3A_51 : vector<16xf32> to vector<1x16xf32>
        tpu.vector_store %arg9[%swap3A, %swap3A_52], %swap3A_55 {strides = array<i32>} : memref<80x128xf32, #tpu.memory_space<vmem>>, vector<1x16xf32>,
        %get3A_56 = arith.index_cast %scan3A_41 : i32 to index
        %get3A_57 = arith.constant 16 : index
        %get3A_58 = tpu.vector_load %arg10[%get3A_56, %get3A_57] {strides = array<i32>} : memref<80x128xf32, #tpu.memory_space<vmem>>, vector<1x16xf32>,
        %get3A_59 = vector.shape_cast %get3A_58 : vector<1x16xf32> to vector<16xf32>
        %get3A_60 = arith.index_cast %scan3A_41 : i32 to index
        %get3A_61 = arith.constant 16 : index
        %get3A_62 = tpu.vector_load %arg9[%get3A_60, %get3A_61] {strides = array<i32>} : memref<80x128xf32, #tpu.memory_space<vmem>>, vector<1x16xf32>,
        %get3A_63 = vector.shape_cast %get3A_62 : vector<1x16xf32> to vector<16xf32>
        %add3A_64 = arith.addf %get3A_59, %get3A_63 : vector<16xf32>
        %max3A_65 = arith.constant 0.000000e+00 : f32
        %max3A_66 = vector.broadcast %max3A_65 : f32 to vector<16xf32>
        %max3A_67 = arith.maximumf %add3A_64, %max3A_66 : vector<16xf32>
        %swap3A_68 = arith.index_cast %scan3A_41 : i32 to index
        %swap3A_69 = arith.constant 16 : index
        %swap3A_70 = tpu.vector_load %arg9[%swap3A_68, %swap3A_69] {strides = array<i32>} : memref<80x128xf32, #tpu.memory_space<vmem>>, vector<1x16xf32>,
        %swap3A_71 = vector.shape_cast %swap3A_70 : vector<1x16xf32> to vector<16xf32>
        %swap3A_72 = vector.shape_cast %max3A_67 : vector<16xf32> to vector<1x16xf32>
        tpu.vector_store %arg9[%swap3A_68, %swap3A_69], %swap3A_72 {strides = array<i32>} : memref<80x128xf32, #tpu.memory_space<vmem>>, vector<1x16xf32>,
        %get3A_73 = arith.index_cast %scan3A_41 : i32 to index
        %get3A_74 = arith.constant 32 : index
        %get3A_75 = tpu.vector_load %arg10[%get3A_73, %get3A_74] {strides = array<i32>} : memref<80x128xf32, #tpu.memory_space<vmem>>, vector<1x16xf32>,
        %get3A_76 = vector.shape_cast %get3A_75 : vector<1x16xf32> to vector<16xf32>
        %get3A_77 = arith.index_cast %scan3A_41 : i32 to index
        %get3A_78 = arith.constant 32 : index
        %get3A_79 = tpu.vector_load %arg9[%get3A_77, %get3A_78] {strides = array<i32>} : memref<80x128xf32, #tpu.memory_space<vmem>>, vector<1x16xf32>,
        %get3A_80 = vector.shape_cast %get3A_79 : vector<1x16xf32> to vector<16xf32>
        %add3A_81 = arith.addf %get3A_76, %get3A_80 : vector<16xf32>
        %max3A_82 = arith.constant 0.000000e+00 : f32
        %max3A_83 = vector.broadcast %max3A_82 : f32 to vector<16xf32>
        %max3A_84 = arith.maximumf %add3A_81, %max3A_83 : vector<16xf32>
        %swap3A_85 = arith.index_cast %scan3A_41 : i32 to index
        %swap3A_86 = arith.constant 32 : index
        %swap3A_87 = tpu.vector_load %arg9[%swap3A_85, %swap3A_86] {strides = array<i32>} : memref<80x128xf32, #tpu.memory_space<vmem>>, vector<1x16xf32>,
        %swap3A_88 = vector.shape_cast %swap3A_87 : vector<1x16xf32> to vector<16xf32>
        %swap3A_89 = vector.shape_cast %max3A_84 : vector<16xf32> to vector<1x16xf32>
        tpu.vector_store %arg9[%swap3A_85, %swap3A_86], %swap3A_89 {strides = array<i32>} : memref<80x128xf32, #tpu.memory_space<vmem>>, vector<1x16xf32>,
        %get3A_90 = arith.index_cast %scan3A_41 : i32 to index
        %get3A_91 = arith.constant 48 : index
        %get3A_92 = tpu.vector_load %arg10[%get3A_90, %get3A_91] {strides = array<i32>} : memref<80x128xf32, #tpu.memory_space<vmem>>, vector<1x16xf32>,
        %get3A_93 = vector.shape_cast %get3A_92 : vector<1x16xf32> to vector<16xf32>
        %get3A_94 = arith.index_cast %scan3A_41 : i32 to index
        %get3A_95 = arith.constant 48 : index
        %get3A_96 = tpu.vector_load %arg9[%get3A_94, %get3A_95] {strides = array<i32>} : memref<80x128xf32, #tpu.memory_space<vmem>>, vector<1x16xf32>,
        %get3A_97 = vector.shape_cast %get3A_96 : vector<1x16xf32> to vector<16xf32>
        %add3A_98 = arith.addf %get3A_93, %get3A_97 : vector<16xf32>
        %max3A_99 = arith.constant 0.000000e+00 : f32
        %max3A_100 = vector.broadcast %max3A_99 : f32 to vector<16xf32>
        %max3A_101 = arith.maximumf %add3A_98, %max3A_100 : vector<16xf32>
        %swap3A_102 = arith.index_cast %scan3A_41 : i32 to index
        %swap3A_103 = arith.constant 48 : index
        %swap3A_104 = tpu.vector_load %arg9[%swap3A_102, %swap3A_103] {strides = array<i32>} : memref<80x128xf32, #tpu.memory_space<vmem>>, vector<1x16xf32>,
        %swap3A_105 = vector.shape_cast %swap3A_104 : vector<1x16xf32> to vector<16xf32>
        %swap3A_106 = vector.shape_cast %max3A_101 : vector<16xf32> to vector<1x16xf32>
        tpu.vector_store %arg9[%swap3A_102, %swap3A_103], %swap3A_106 {strides = array<i32>} : memref<80x128xf32, #tpu.memory_space<vmem>>, vector<1x16xf32>,
        %get3A_107 = arith.index_cast %scan3A_41 : i32 to index
        %get3A_108 = arith.constant 64 : index
        %get3A_109 = tpu.vector_load %arg10[%get3A_107, %get3A_108] {strides = array<i32>} : memref<80x128xf32, #tpu.memory_space<vmem>>, vector<1x16xf32>,
        %get3A_110 = vector.shape_cast %get3A_109 : vector<1x16xf32> to vector<16xf32>
        %get3A_111 = arith.index_cast %scan3A_41 : i32 to index
        %get3A_112 = arith.constant 64 : index
        %get3A_113 = tpu.vector_load %arg9[%get3A_111, %get3A_112] {strides = array<i32>} : memref<80x128xf32, #tpu.memory_space<vmem>>, vector<1x16xf32>,
        %get3A_114 = vector.shape_cast %get3A_113 : vector<1x16xf32> to vector<16xf32>
        %add3A_115 = arith.addf %get3A_110, %get3A_114 : vector<16xf32>
        %max3A_116 = arith.constant 0.000000e+00 : f32
        %max3A_117 = vector.broadcast %max3A_116 : f32 to vector<16xf32>
        %max3A_118 = arith.maximumf %add3A_115, %max3A_117 : vector<16xf32>
        %swap3A_119 = arith.index_cast %scan3A_41 : i32 to index
        %swap3A_120 = arith.constant 64 : index
        %swap3A_121 = tpu.vector_load %arg9[%swap3A_119, %swap3A_120] {strides = array<i32>} : memref<80x128xf32, #tpu.memory_space<vmem>>, vector<1x16xf32>,
        %swap3A_122 = vector.shape_cast %swap3A_121 : vector<1x16xf32> to vector<16xf32>
        %swap3A_123 = vector.shape_cast %max3A_118 : vector<16xf32> to vector<1x16xf32>
        tpu.vector_store %arg9[%swap3A_119, %swap3A_120], %swap3A_123 {strides = array<i32>} : memref<80x128xf32, #tpu.memory_space<vmem>>, vector<1x16xf32>,
        %get3A_124 = arith.index_cast %scan3A_41 : i32 to index
        %get3A_125 = arith.constant 80 : index
        %get3A_126 = tpu.vector_load %arg10[%get3A_124, %get3A_125] {strides = array<i32>} : memref<80x128xf32, #tpu.memory_space<vmem>>, vector<1x16xf32>,
        %get3A_127 = vector.shape_cast %get3A_126 : vector<1x16xf32> to vector<16xf32>
        %get3A_128 = arith.index_cast %scan3A_41 : i32 to index
        %get3A_129 = arith.constant 80 : index
        %get3A_130 = tpu.vector_load %arg9[%get3A_128, %get3A_129] {strides = array<i32>} : memref<80x128xf32, #tpu.memory_space<vmem>>, vector<1x16xf32>,
        %get3A_131 = vector.shape_cast %get3A_130 : vector<1x16xf32> to vector<16xf32>
        %add3A_132 = arith.addf %get3A_127, %get3A_131 : vector<16xf32>
        %max3A_133 = arith.constant 0.000000e+00 : f32
        %max3A_134 = vector.broadcast %max3A_133 : f32 to vector<16xf32>
        %max3A_135 = arith.maximumf %add3A_132, %max3A_134 : vector<16xf32>
        %swap3A_136 = arith.index_cast %scan3A_41 : i32 to index
        %swap3A_137 = arith.constant 80 : index
        %swap3A_138 = tpu.vector_load %arg9[%swap3A_136, %swap3A_137] {strides = array<i32>} : memref<80x128xf32, #tpu.memory_space<vmem>>, vector<1x16xf32>,
        %swap3A_139 = vector.shape_cast %swap3A_138 : vector<1x16xf32> to vector<16xf32>
        %swap3A_140 = vector.shape_cast %max3A_135 : vector<16xf32> to vector<1x16xf32>
        tpu.vector_store %arg9[%swap3A_136, %swap3A_137], %swap3A_140 {strides = array<i32>} : memref<80x128xf32, #tpu.memory_space<vmem>>, vector<1x16xf32>,
        %get3A_141 = arith.index_cast %scan3A_41 : i32 to index
        %get3A_142 = arith.constant 96 : index
        %get3A_143 = tpu.vector_load %arg10[%get3A_141, %get3A_142] {strides = array<i32>} : memref<80x128xf32, #tpu.memory_space<vmem>>, vector<1x16xf32>,
        %get3A_144 = vector.shape_cast %get3A_143 : vector<1x16xf32> to vector<16xf32>
        %get3A_145 = arith.index_cast %scan3A_41 : i32 to index
        %get3A_146 = arith.constant 96 : index
        %get3A_147 = tpu.vector_load %arg9[%get3A_145, %get3A_146] {strides = array<i32>} : memref<80x128xf32, #tpu.memory_space<vmem>>, vector<1x16xf32>,
        %get3A_148 = vector.shape_cast %get3A_147 : vector<1x16xf32> to vector<16xf32>
        %add3A_149 = arith.addf %get3A_144, %get3A_148 : vector<16xf32>
        %max3A_150 = arith.constant 0.000000e+00 : f32
        %max3A_151 = vector.broadcast %max3A_150 : f32 to vector<16xf32>
        %max3A_152 = arith.maximumf %add3A_149, %max3A_151 : vector<16xf32>
        %swap3A_153 = arith.index_cast %scan3A_41 : i32 to index
        %swap3A_154 = arith.constant 96 : index
        %swap3A_155 = tpu.vector_load %arg9[%swap3A_153, %swap3A_154] {strides = array<i32>} : memref<80x128xf32, #tpu.memory_space<vmem>>, vector<1x16xf32>,
        %swap3A_156 = vector.shape_cast %swap3A_155 : vector<1x16xf32> to vector<16xf32>
        %swap3A_157 = vector.shape_cast %max3A_152 : vector<16xf32> to vector<1x16xf32>
        tpu.vector_store %arg9[%swap3A_153, %swap3A_154], %swap3A_157 {strides = array<i32>} : memref<80x128xf32, #tpu.memory_space<vmem>>, vector<1x16xf32>,
        %get3A_158 = arith.index_cast %scan3A_41 : i32 to index
        %get3A_159 = arith.constant 112 : index
        %get3A_160 = tpu.vector_load %arg10[%get3A_158, %get3A_159] {strides = array<i32>} : memref<80x128xf32, #tpu.memory_space<vmem>>, vector<1x16xf32>,
        %get3A_161 = vector.shape_cast %get3A_160 : vector<1x16xf32> to vector<16xf32>
        %get3A_162 = arith.index_cast %scan3A_41 : i32 to index
        %get3A_163 = arith.constant 112 : index
        %get3A_164 = tpu.vector_load %arg9[%get3A_162, %get3A_163] {strides = array<i32>} : memref<80x128xf32, #tpu.memory_space<vmem>>, vector<1x16xf32>,
        %get3A_165 = vector.shape_cast %get3A_164 : vector<1x16xf32> to vector<16xf32>
        %add3A_166 = arith.addf %get3A_161, %get3A_165 : vector<16xf32>
        %max3A_167 = arith.constant 0.000000e+00 : f32
        %max3A_168 = vector.broadcast %max3A_167 : f32 to vector<16xf32>
        %max3A_169 = arith.maximumf %add3A_166, %max3A_168 : vector<16xf32>
        %swap3A_170 = arith.index_cast %scan3A_41 : i32 to index
        %swap3A_171 = arith.constant 112 : index
        %swap3A_172 = tpu.vector_load %arg9[%swap3A_170, %swap3A_171] {strides = array<i32>} : memref<80x128xf32, #tpu.memory_space<vmem>>, vector<1x16xf32>,
        %swap3A_173 = vector.shape_cast %swap3A_172 : vector<1x16xf32> to vector<16xf32>
        %swap3A_174 = vector.shape_cast %max3A_169 : vector<16xf32> to vector<1x16xf32>
        tpu.vector_store %arg9[%swap3A_170, %swap3A_171], %swap3A_174 {strides = array<i32>} : memref<80x128xf32, #tpu.memory_space<vmem>>, vector<1x16xf32>,
      }
      %scan3A_40 = arith.constant 80 : i32
      "tpu.region"() ({
        %run_scoped3A = tpu.sem_alloc : memref<!tpu.dma_semaphore, #tpu.memory_space<semaphore_mem>>
        %dma_start3A_41 = arith.constant 0 : i32
        %dma_start3A_42 = arith.constant 0 : i32
        %dma_start3A_43 = tpu.memref_slice %arg7[%dma_start3A_41, %dma_start3A_42] : memref<10240x128xf32, #tpu.memory_space<vmem_shared>> -> memref<10240x128xf32, #tpu.memory_space<vmem_shared>>
        tpu.enqueue_indirect_dma source(%arg9 : memref<80x128xf32, #tpu.memory_space<vmem>>) target(%dma_start3A_43 : memref<10240x128xf32, #tpu.memory_space<vmem_shared>>) offsets(%arg8 : memref<80xi32, #tpu.memory_space<vmem>>) semaphore(%run_scoped3A : memref<!tpu.dma_semaphore, #tpu.memory_space<semaphore_mem>>) {add = true}
        %dma_wait3A_44 = arith.constant 0 : i32
        %dma_wait3A_45 = arith.constant 0 : i32
        %dma_wait3A_46 = tpu.memref_slice %arg7[%dma_wait3A_44, %dma_wait3A_45] : memref<10240x128xf32, #tpu.memory_space<vmem_shared>> -> memref<10240x128xf32, #tpu.memory_space<vmem_shared>>
        tpu.wait_indirect_dma semaphore(%run_scoped3A : memref<!tpu.dma_semaphore, #tpu.memory_space<semaphore_mem>>) src(%arg9 : memref<80x128xf32, #tpu.memory_space<vmem>>) dst(%dma_wait3A_46 : memref<10240x128xf32, #tpu.memory_space<vmem_shared>>)
        tpu.yield
      }) : () -> ()
    }
    %scan3A_25 = arith.constant 125 : i32
    %barrier3A_26 = arith.constant 0 : index
    tpu.barrier barrier_id(%barrier3A_26)
    "tpu.region"() ({
      %run_scoped3A = tpu.sem_alloc : memref<!tpu.dma_semaphore, #tpu.memory_space<semaphore_mem>>
      %dma_start3A = arith.constant 0 : i32
      %dma_start3A_27 = tpu.memref_slice %arg6[%arg0, %mul3A_7, %dma_start3A] : memref<2x10240x128xf32, #tpu.memory_space<hbm>> -> memref<1x640x128xf32, #tpu.memory_space<hbm>>
      %dma_start3A_28 = tpu.memref_squeeze %dma_start3A_27 : memref<1x640x128xf32, #tpu.memory_space<hbm>> -> memref<640x128xf32, #tpu.memory_space<hbm>>
      %dma_start3A_29 = arith.constant 0 : i32
      %dma_start3A_30 = tpu.memref_slice %arg7[%mul3A_7, %dma_start3A_29] : memref<10240x128xf32, #tpu.memory_space<vmem_shared>> -> memref<640x128xf32, #tpu.memory_space<vmem_shared>>
      tpu.enqueue_dma source(%dma_start3A_30 : memref<640x128xf32, #tpu.memory_space<vmem_shared>>) target(%dma_start3A_28 : memref<640x128xf32, #tpu.memory_space<hbm>>) target_semaphore(%run_scoped3A : memref<!tpu.dma_semaphore, #tpu.memory_space<semaphore_mem>>)
      %dma_wait3A = arith.constant 0 : i32
      %dma_wait3A_31 = tpu.memref_slice %arg6[%arg0, %mul3A_7, %dma_wait3A] : memref<2x10240x128xf32, #tpu.memory_space<hbm>> -> memref<1x640x128xf32, #tpu.memory_space<hbm>>
      %dma_wait3A_32 = tpu.memref_squeeze %dma_wait3A_31 : memref<1x640x128xf32, #tpu.memory_space<hbm>> -> memref<640x128xf32, #tpu.memory_space<hbm>>
      %dma_wait3A_33 = arith.constant 0 : i32
      %dma_wait3A_34 = tpu.memref_slice %arg7[%mul3A_7, %dma_wait3A_33] : memref<10240x128xf32, #tpu.memory_space<vmem_shared>> -> memref<640x128xf32, #tpu.memory_space<vmem_shared>>
      tpu.wait_dma2 semaphore(%run_scoped3A : memref<!tpu.dma_semaphore, #tpu.memory_space<semaphore_mem>>) src(%dma_wait3A_34 : memref<640x128xf32, #tpu.memory_space<vmem_shared>>) dst(%dma_wait3A_32 : memref<640x128xf32, #tpu.memory_space<hbm>>)
      tpu.yield
    }) : () -> ()
    return
  }
}

#map = affine_map<(d0, d1) -> (0, 0)>
#map1 = affine_map<(d0, d1) -> (0)>
#map2 = affine_map<(d0, d1) -> (0, 0, 0)>
module attributes {stable_mosaic.version = 14 : i64} {
  func.func @sc_msgpass(%arg0: i32, %arg1: i32, %arg2: memref<10000x128xf32, #tpu.memory_space<hbm>>, %arg3: memref<320000xi32, #tpu.memory_space<hbm>>, %arg4: memref<320000xi32, #tpu.memory_space<hbm>>, %arg5: memref<320000x128xf32, #tpu.memory_space<hbm>>, %arg6: memref<2x10240x128xf32, #tpu.memory_space<hbm>>, %arg7: memref<10240x128xf32, #tpu.memory_space<vmem_shared>>, %arg8: memref<80xi32, #tpu.memory_space<vmem>>, %arg9: memref<80x128xf32, #tpu.memory_space<vmem>>, %arg10: memref<80x128xf32, #tpu.memory_space<vmem>>, %arg11: memref<!tpu.dma_semaphore, #tpu.memory_space<semaphore_mem>>, %arg12: memref<80xi32, #tpu.memory_space<vmem>>, %arg13: memref<128x128xf32, #tpu.memory_space<vmem>>) attributes {dimension_semantics = [#tpu.dimension_semantics<core_parallel>, #tpu.dimension_semantics<subcore_parallel>], iteration_bounds = array<i64: 2, 16>, scalar_prefetch = 0 : i64, scratch_operands = 7 : i64, tpu.core_type = #tpu.core_type<sc_vector_subcore>, window_params = [{transform_indices = #map}, {transform_indices = #map1}, {transform_indices = #map1}, {transform_indices = #map}, {transform_indices = #map2}]} {
    %mul3A = arith.constant 16 : i32
    %mul3A_0 = arith.muli %arg0, %mul3A : i32
    %add3A = arith.addi %mul3A_0, %arg1 : i32
    %scan3A = arith.constant 0 : i32
    %scan3A_1 = arith.constant 0 : i32
    %scan3A_2 = arith.constant 128 : i32
    %scan3A_3 = arith.addi %scan3A_1, %scan3A_2 : i32
    %scan3A_4 = arith.constant 1 : i32
    scf.for %scan3A_27 = %scan3A_1 to %scan3A_3 step %scan3A_4  : i32 {
      %broadcast_in_dim3A = arith.constant 0.000000e+00 : f32
      %broadcast_in_dim3A_28 = vector.broadcast %broadcast_in_dim3A : f32 to vector<16xf32>
      %swap3A = arith.index_cast %scan3A_27 : i32 to index
      %swap3A_29 = arith.constant 0 : index
      %swap3A_30 = tpu.vector_load %arg13[%swap3A, %swap3A_29] {strides = array<i32>} : memref<128x128xf32, #tpu.memory_space<vmem>>, vector<1x16xf32>,
      %swap3A_31 = vector.shape_cast %swap3A_30 : vector<1x16xf32> to vector<16xf32>
      %swap3A_32 = vector.shape_cast %broadcast_in_dim3A_28 : vector<16xf32> to vector<1x16xf32>
      tpu.vector_store %arg13[%swap3A, %swap3A_29], %swap3A_32 {strides = array<i32>} : memref<128x128xf32, #tpu.memory_space<vmem>>, vector<1x16xf32>,
      %broadcast_in_dim3A_33 = arith.constant 0.000000e+00 : f32
      %broadcast_in_dim3A_34 = vector.broadcast %broadcast_in_dim3A_33 : f32 to vector<16xf32>
      %swap3A_35 = arith.index_cast %scan3A_27 : i32 to index
      %swap3A_36 = arith.constant 16 : index
      %swap3A_37 = tpu.vector_load %arg13[%swap3A_35, %swap3A_36] {strides = array<i32>} : memref<128x128xf32, #tpu.memory_space<vmem>>, vector<1x16xf32>,
      %swap3A_38 = vector.shape_cast %swap3A_37 : vector<1x16xf32> to vector<16xf32>
      %swap3A_39 = vector.shape_cast %broadcast_in_dim3A_34 : vector<16xf32> to vector<1x16xf32>
      tpu.vector_store %arg13[%swap3A_35, %swap3A_36], %swap3A_39 {strides = array<i32>} : memref<128x128xf32, #tpu.memory_space<vmem>>, vector<1x16xf32>,
      %broadcast_in_dim3A_40 = arith.constant 0.000000e+00 : f32
      %broadcast_in_dim3A_41 = vector.broadcast %broadcast_in_dim3A_40 : f32 to vector<16xf32>
      %swap3A_42 = arith.index_cast %scan3A_27 : i32 to index
      %swap3A_43 = arith.constant 32 : index
      %swap3A_44 = tpu.vector_load %arg13[%swap3A_42, %swap3A_43] {strides = array<i32>} : memref<128x128xf32, #tpu.memory_space<vmem>>, vector<1x16xf32>,
      %swap3A_45 = vector.shape_cast %swap3A_44 : vector<1x16xf32> to vector<16xf32>
      %swap3A_46 = vector.shape_cast %broadcast_in_dim3A_41 : vector<16xf32> to vector<1x16xf32>
      tpu.vector_store %arg13[%swap3A_42, %swap3A_43], %swap3A_46 {strides = array<i32>} : memref<128x128xf32, #tpu.memory_space<vmem>>, vector<1x16xf32>,
      %broadcast_in_dim3A_47 = arith.constant 0.000000e+00 : f32
      %broadcast_in_dim3A_48 = vector.broadcast %broadcast_in_dim3A_47 : f32 to vector<16xf32>
      %swap3A_49 = arith.index_cast %scan3A_27 : i32 to index
      %swap3A_50 = arith.constant 48 : index
      %swap3A_51 = tpu.vector_load %arg13[%swap3A_49, %swap3A_50] {strides = array<i32>} : memref<128x128xf32, #tpu.memory_space<vmem>>, vector<1x16xf32>,
      %swap3A_52 = vector.shape_cast %swap3A_51 : vector<1x16xf32> to vector<16xf32>
      %swap3A_53 = vector.shape_cast %broadcast_in_dim3A_48 : vector<16xf32> to vector<1x16xf32>
      tpu.vector_store %arg13[%swap3A_49, %swap3A_50], %swap3A_53 {strides = array<i32>} : memref<128x128xf32, #tpu.memory_space<vmem>>, vector<1x16xf32>,
      %broadcast_in_dim3A_54 = arith.constant 0.000000e+00 : f32
      %broadcast_in_dim3A_55 = vector.broadcast %broadcast_in_dim3A_54 : f32 to vector<16xf32>
      %swap3A_56 = arith.index_cast %scan3A_27 : i32 to index
      %swap3A_57 = arith.constant 64 : index
      %swap3A_58 = tpu.vector_load %arg13[%swap3A_56, %swap3A_57] {strides = array<i32>} : memref<128x128xf32, #tpu.memory_space<vmem>>, vector<1x16xf32>,
      %swap3A_59 = vector.shape_cast %swap3A_58 : vector<1x16xf32> to vector<16xf32>
      %swap3A_60 = vector.shape_cast %broadcast_in_dim3A_55 : vector<16xf32> to vector<1x16xf32>
      tpu.vector_store %arg13[%swap3A_56, %swap3A_57], %swap3A_60 {strides = array<i32>} : memref<128x128xf32, #tpu.memory_space<vmem>>, vector<1x16xf32>,
      %broadcast_in_dim3A_61 = arith.constant 0.000000e+00 : f32
      %broadcast_in_dim3A_62 = vector.broadcast %broadcast_in_dim3A_61 : f32 to vector<16xf32>
      %swap3A_63 = arith.index_cast %scan3A_27 : i32 to index
      %swap3A_64 = arith.constant 80 : index
      %swap3A_65 = tpu.vector_load %arg13[%swap3A_63, %swap3A_64] {strides = array<i32>} : memref<128x128xf32, #tpu.memory_space<vmem>>, vector<1x16xf32>,
      %swap3A_66 = vector.shape_cast %swap3A_65 : vector<1x16xf32> to vector<16xf32>
      %swap3A_67 = vector.shape_cast %broadcast_in_dim3A_62 : vector<16xf32> to vector<1x16xf32>
      tpu.vector_store %arg13[%swap3A_63, %swap3A_64], %swap3A_67 {strides = array<i32>} : memref<128x128xf32, #tpu.memory_space<vmem>>, vector<1x16xf32>,
      %broadcast_in_dim3A_68 = arith.constant 0.000000e+00 : f32
      %broadcast_in_dim3A_69 = vector.broadcast %broadcast_in_dim3A_68 : f32 to vector<16xf32>
      %swap3A_70 = arith.index_cast %scan3A_27 : i32 to index
      %swap3A_71 = arith.constant 96 : index
      %swap3A_72 = tpu.vector_load %arg13[%swap3A_70, %swap3A_71] {strides = array<i32>} : memref<128x128xf32, #tpu.memory_space<vmem>>, vector<1x16xf32>,
      %swap3A_73 = vector.shape_cast %swap3A_72 : vector<1x16xf32> to vector<16xf32>
      %swap3A_74 = vector.shape_cast %broadcast_in_dim3A_69 : vector<16xf32> to vector<1x16xf32>
      tpu.vector_store %arg13[%swap3A_70, %swap3A_71], %swap3A_74 {strides = array<i32>} : memref<128x128xf32, #tpu.memory_space<vmem>>, vector<1x16xf32>,
      %broadcast_in_dim3A_75 = arith.constant 0.000000e+00 : f32
      %broadcast_in_dim3A_76 = vector.broadcast %broadcast_in_dim3A_75 : f32 to vector<16xf32>
      %swap3A_77 = arith.index_cast %scan3A_27 : i32 to index
      %swap3A_78 = arith.constant 112 : index
      %swap3A_79 = tpu.vector_load %arg13[%swap3A_77, %swap3A_78] {strides = array<i32>} : memref<128x128xf32, #tpu.memory_space<vmem>>, vector<1x16xf32>,
      %swap3A_80 = vector.shape_cast %swap3A_79 : vector<1x16xf32> to vector<16xf32>
      %swap3A_81 = vector.shape_cast %broadcast_in_dim3A_76 : vector<16xf32> to vector<1x16xf32>
      tpu.vector_store %arg13[%swap3A_77, %swap3A_78], %swap3A_81 {strides = array<i32>} : memref<128x128xf32, #tpu.memory_space<vmem>>, vector<1x16xf32>,
    }
    %scan3A_5 = arith.constant 128 : i32
    %mul3A_6 = arith.constant 640 : i32
    %mul3A_7 = arith.muli %arg1, %mul3A_6 : i32
    %add3A_8 = arith.constant 0 : i32
    %add3A_9 = arith.addi %mul3A_7, %add3A_8 : i32
    "tpu.region"() ({
      %run_scoped3A = tpu.sem_alloc : memref<!tpu.dma_semaphore, #tpu.memory_space<semaphore_mem>>
      %dma_start3A = arith.constant 0 : i32
      %dma_start3A_27 = tpu.memref_slice %arg7[%add3A_9, %dma_start3A] : memref<10240x128xf32, #tpu.memory_space<vmem_shared>> -> memref<128x128xf32, #tpu.memory_space<vmem_shared>>
      %dma_start3A_28 = arith.constant 0 : i32
      %dma_start3A_29 = tpu.memref_slice %arg7[%add3A_9, %dma_start3A_28] : memref<10240x128xf32, #tpu.memory_space<vmem_shared>> -> memref<128x128xf32, #tpu.memory_space<vmem_shared>>
      tpu.enqueue_dma source(%arg13 : memref<128x128xf32, #tpu.memory_space<vmem>>) target(%dma_start3A_29 : memref<128x128xf32, #tpu.memory_space<vmem_shared>>) target_semaphore(%run_scoped3A : memref<!tpu.dma_semaphore, #tpu.memory_space<semaphore_mem>>)
      %dma_wait3A = arith.constant 0 : i32
      %dma_wait3A_30 = tpu.memref_slice %arg7[%add3A_9, %dma_wait3A] : memref<10240x128xf32, #tpu.memory_space<vmem_shared>> -> memref<128x128xf32, #tpu.memory_space<vmem_shared>>
      %dma_wait3A_31 = arith.constant 0 : i32
      %dma_wait3A_32 = tpu.memref_slice %arg7[%add3A_9, %dma_wait3A_31] : memref<10240x128xf32, #tpu.memory_space<vmem_shared>> -> memref<128x128xf32, #tpu.memory_space<vmem_shared>>
      tpu.wait_dma2 semaphore(%run_scoped3A : memref<!tpu.dma_semaphore, #tpu.memory_space<semaphore_mem>>) src(%arg13 : memref<128x128xf32, #tpu.memory_space<vmem>>) dst(%dma_wait3A_32 : memref<128x128xf32, #tpu.memory_space<vmem_shared>>)
      tpu.yield
    }) : () -> ()
    %add3A_10 = arith.constant 128 : i32
    %add3A_11 = arith.addi %mul3A_7, %add3A_10 : i32
    "tpu.region"() ({
      %run_scoped3A = tpu.sem_alloc : memref<!tpu.dma_semaphore, #tpu.memory_space<semaphore_mem>>
      %dma_start3A = arith.constant 0 : i32
      %dma_start3A_27 = tpu.memref_slice %arg7[%add3A_11, %dma_start3A] : memref<10240x128xf32, #tpu.memory_space<vmem_shared>> -> memref<128x128xf32, #tpu.memory_space<vmem_shared>>
      %dma_start3A_28 = arith.constant 0 : i32
      %dma_start3A_29 = tpu.memref_slice %arg7[%add3A_11, %dma_start3A_28] : memref<10240x128xf32, #tpu.memory_space<vmem_shared>> -> memref<128x128xf32, #tpu.memory_space<vmem_shared>>
      tpu.enqueue_dma source(%arg13 : memref<128x128xf32, #tpu.memory_space<vmem>>) target(%dma_start3A_29 : memref<128x128xf32, #tpu.memory_space<vmem_shared>>) target_semaphore(%run_scoped3A : memref<!tpu.dma_semaphore, #tpu.memory_space<semaphore_mem>>)
      %dma_wait3A = arith.constant 0 : i32
      %dma_wait3A_30 = tpu.memref_slice %arg7[%add3A_11, %dma_wait3A] : memref<10240x128xf32, #tpu.memory_space<vmem_shared>> -> memref<128x128xf32, #tpu.memory_space<vmem_shared>>
      %dma_wait3A_31 = arith.constant 0 : i32
      %dma_wait3A_32 = tpu.memref_slice %arg7[%add3A_11, %dma_wait3A_31] : memref<10240x128xf32, #tpu.memory_space<vmem_shared>> -> memref<128x128xf32, #tpu.memory_space<vmem_shared>>
      tpu.wait_dma2 semaphore(%run_scoped3A : memref<!tpu.dma_semaphore, #tpu.memory_space<semaphore_mem>>) src(%arg13 : memref<128x128xf32, #tpu.memory_space<vmem>>) dst(%dma_wait3A_32 : memref<128x128xf32, #tpu.memory_space<vmem_shared>>)
      tpu.yield
    }) : () -> ()
    %add3A_12 = arith.constant 256 : i32
    %add3A_13 = arith.addi %mul3A_7, %add3A_12 : i32
    "tpu.region"() ({
      %run_scoped3A = tpu.sem_alloc : memref<!tpu.dma_semaphore, #tpu.memory_space<semaphore_mem>>
      %dma_start3A = arith.constant 0 : i32
      %dma_start3A_27 = tpu.memref_slice %arg7[%add3A_13, %dma_start3A] : memref<10240x128xf32, #tpu.memory_space<vmem_shared>> -> memref<128x128xf32, #tpu.memory_space<vmem_shared>>
      %dma_start3A_28 = arith.constant 0 : i32
      %dma_start3A_29 = tpu.memref_slice %arg7[%add3A_13, %dma_start3A_28] : memref<10240x128xf32, #tpu.memory_space<vmem_shared>> -> memref<128x128xf32, #tpu.memory_space<vmem_shared>>
      tpu.enqueue_dma source(%arg13 : memref<128x128xf32, #tpu.memory_space<vmem>>) target(%dma_start3A_29 : memref<128x128xf32, #tpu.memory_space<vmem_shared>>) target_semaphore(%run_scoped3A : memref<!tpu.dma_semaphore, #tpu.memory_space<semaphore_mem>>)
      %dma_wait3A = arith.constant 0 : i32
      %dma_wait3A_30 = tpu.memref_slice %arg7[%add3A_13, %dma_wait3A] : memref<10240x128xf32, #tpu.memory_space<vmem_shared>> -> memref<128x128xf32, #tpu.memory_space<vmem_shared>>
      %dma_wait3A_31 = arith.constant 0 : i32
      %dma_wait3A_32 = tpu.memref_slice %arg7[%add3A_13, %dma_wait3A_31] : memref<10240x128xf32, #tpu.memory_space<vmem_shared>> -> memref<128x128xf32, #tpu.memory_space<vmem_shared>>
      tpu.wait_dma2 semaphore(%run_scoped3A : memref<!tpu.dma_semaphore, #tpu.memory_space<semaphore_mem>>) src(%arg13 : memref<128x128xf32, #tpu.memory_space<vmem>>) dst(%dma_wait3A_32 : memref<128x128xf32, #tpu.memory_space<vmem_shared>>)
      tpu.yield
    }) : () -> ()
    %add3A_14 = arith.constant 384 : i32
    %add3A_15 = arith.addi %mul3A_7, %add3A_14 : i32
    "tpu.region"() ({
      %run_scoped3A = tpu.sem_alloc : memref<!tpu.dma_semaphore, #tpu.memory_space<semaphore_mem>>
      %dma_start3A = arith.constant 0 : i32
      %dma_start3A_27 = tpu.memref_slice %arg7[%add3A_15, %dma_start3A] : memref<10240x128xf32, #tpu.memory_space<vmem_shared>> -> memref<128x128xf32, #tpu.memory_space<vmem_shared>>
      %dma_start3A_28 = arith.constant 0 : i32
      %dma_start3A_29 = tpu.memref_slice %arg7[%add3A_15, %dma_start3A_28] : memref<10240x128xf32, #tpu.memory_space<vmem_shared>> -> memref<128x128xf32, #tpu.memory_space<vmem_shared>>
      tpu.enqueue_dma source(%arg13 : memref<128x128xf32, #tpu.memory_space<vmem>>) target(%dma_start3A_29 : memref<128x128xf32, #tpu.memory_space<vmem_shared>>) target_semaphore(%run_scoped3A : memref<!tpu.dma_semaphore, #tpu.memory_space<semaphore_mem>>)
      %dma_wait3A = arith.constant 0 : i32
      %dma_wait3A_30 = tpu.memref_slice %arg7[%add3A_15, %dma_wait3A] : memref<10240x128xf32, #tpu.memory_space<vmem_shared>> -> memref<128x128xf32, #tpu.memory_space<vmem_shared>>
      %dma_wait3A_31 = arith.constant 0 : i32
      %dma_wait3A_32 = tpu.memref_slice %arg7[%add3A_15, %dma_wait3A_31] : memref<10240x128xf32, #tpu.memory_space<vmem_shared>> -> memref<128x128xf32, #tpu.memory_space<vmem_shared>>
      tpu.wait_dma2 semaphore(%run_scoped3A : memref<!tpu.dma_semaphore, #tpu.memory_space<semaphore_mem>>) src(%arg13 : memref<128x128xf32, #tpu.memory_space<vmem>>) dst(%dma_wait3A_32 : memref<128x128xf32, #tpu.memory_space<vmem_shared>>)
      tpu.yield
    }) : () -> ()
    %add3A_16 = arith.constant 512 : i32
    %add3A_17 = arith.addi %mul3A_7, %add3A_16 : i32
    "tpu.region"() ({
      %run_scoped3A = tpu.sem_alloc : memref<!tpu.dma_semaphore, #tpu.memory_space<semaphore_mem>>
      %dma_start3A = arith.constant 0 : i32
      %dma_start3A_27 = tpu.memref_slice %arg7[%add3A_17, %dma_start3A] : memref<10240x128xf32, #tpu.memory_space<vmem_shared>> -> memref<128x128xf32, #tpu.memory_space<vmem_shared>>
      %dma_start3A_28 = arith.constant 0 : i32
      %dma_start3A_29 = tpu.memref_slice %arg7[%add3A_17, %dma_start3A_28] : memref<10240x128xf32, #tpu.memory_space<vmem_shared>> -> memref<128x128xf32, #tpu.memory_space<vmem_shared>>
      tpu.enqueue_dma source(%arg13 : memref<128x128xf32, #tpu.memory_space<vmem>>) target(%dma_start3A_29 : memref<128x128xf32, #tpu.memory_space<vmem_shared>>) target_semaphore(%run_scoped3A : memref<!tpu.dma_semaphore, #tpu.memory_space<semaphore_mem>>)
      %dma_wait3A = arith.constant 0 : i32
      %dma_wait3A_30 = tpu.memref_slice %arg7[%add3A_17, %dma_wait3A] : memref<10240x128xf32, #tpu.memory_space<vmem_shared>> -> memref<128x128xf32, #tpu.memory_space<vmem_shared>>
      %dma_wait3A_31 = arith.constant 0 : i32
      %dma_wait3A_32 = tpu.memref_slice %arg7[%add3A_17, %dma_wait3A_31] : memref<10240x128xf32, #tpu.memory_space<vmem_shared>> -> memref<128x128xf32, #tpu.memory_space<vmem_shared>>
      tpu.wait_dma2 semaphore(%run_scoped3A : memref<!tpu.dma_semaphore, #tpu.memory_space<semaphore_mem>>) src(%arg13 : memref<128x128xf32, #tpu.memory_space<vmem>>) dst(%dma_wait3A_32 : memref<128x128xf32, #tpu.memory_space<vmem_shared>>)
      tpu.yield
    }) : () -> ()
    %barrier3A = arith.constant 0 : index
    tpu.barrier barrier_id(%barrier3A)
    %mul3A_18 = arith.constant 10000 : i32
    %mul3A_19 = arith.muli %add3A, %mul3A_18 : i32
    %scan3A_20 = arith.constant 0 : i32
    %scan3A_21 = arith.constant 0 : i32
    %scan3A_22 = arith.constant 125 : i32
    %scan3A_23 = arith.addi %scan3A_21, %scan3A_22 : i32
    %scan3A_24 = arith.constant 1 : i32
    scf.for %scan3A_27 = %scan3A_21 to %scan3A_23 step %scan3A_24  : i32 {
      %mul3A_28 = arith.constant 80 : i32
      %mul3A_29 = arith.muli %scan3A_27, %mul3A_28 : i32
      %add3A_30 = arith.addi %mul3A_19, %mul3A_29 : i32
      "tpu.region"() ({
        %run_scoped3A = tpu.sem_alloc : memref<!tpu.dma_semaphore, #tpu.memory_space<semaphore_mem>>
        %dma_start3A_41 = tpu.memref_slice %arg3[%add3A_30] : memref<320000xi32, #tpu.memory_space<hbm>> -> memref<80xi32, #tpu.memory_space<hbm>>
        %dma_start3A_42 = tpu.memref_slice %arg3[%add3A_30] : memref<320000xi32, #tpu.memory_space<hbm>> -> memref<80xi32, #tpu.memory_space<hbm>>
        tpu.enqueue_dma source(%dma_start3A_42 : memref<80xi32, #tpu.memory_space<hbm>>) target(%arg12 : memref<80xi32, #tpu.memory_space<vmem>>) target_semaphore(%run_scoped3A : memref<!tpu.dma_semaphore, #tpu.memory_space<semaphore_mem>>)
        %dma_wait3A_43 = tpu.memref_slice %arg3[%add3A_30] : memref<320000xi32, #tpu.memory_space<hbm>> -> memref<80xi32, #tpu.memory_space<hbm>>
        %dma_wait3A_44 = tpu.memref_slice %arg3[%add3A_30] : memref<320000xi32, #tpu.memory_space<hbm>> -> memref<80xi32, #tpu.memory_space<hbm>>
        tpu.wait_dma2 semaphore(%run_scoped3A : memref<!tpu.dma_semaphore, #tpu.memory_space<semaphore_mem>>) src(%dma_wait3A_44 : memref<80xi32, #tpu.memory_space<hbm>>) dst(%arg12 : memref<80xi32, #tpu.memory_space<vmem>>)
        tpu.yield
      }) : () -> ()
      "tpu.region"() ({
        %run_scoped3A = tpu.sem_alloc : memref<!tpu.dma_semaphore, #tpu.memory_space<semaphore_mem>>
        %dma_start3A_41 = tpu.memref_slice %arg4[%add3A_30] : memref<320000xi32, #tpu.memory_space<hbm>> -> memref<80xi32, #tpu.memory_space<hbm>>
        %dma_start3A_42 = tpu.memref_slice %arg4[%add3A_30] : memref<320000xi32, #tpu.memory_space<hbm>> -> memref<80xi32, #tpu.memory_space<hbm>>
        tpu.enqueue_dma source(%dma_start3A_42 : memref<80xi32, #tpu.memory_space<hbm>>) target(%arg8 : memref<80xi32, #tpu.memory_space<vmem>>) target_semaphore(%run_scoped3A : memref<!tpu.dma_semaphore, #tpu.memory_space<semaphore_mem>>)
        %dma_wait3A_43 = tpu.memref_slice %arg4[%add3A_30] : memref<320000xi32, #tpu.memory_space<hbm>> -> memref<80xi32, #tpu.memory_space<hbm>>
        %dma_wait3A_44 = tpu.memref_slice %arg4[%add3A_30] : memref<320000xi32, #tpu.memory_space<hbm>> -> memref<80xi32, #tpu.memory_space<hbm>>
        tpu.wait_dma2 semaphore(%run_scoped3A : memref<!tpu.dma_semaphore, #tpu.memory_space<semaphore_mem>>) src(%dma_wait3A_44 : memref<80xi32, #tpu.memory_space<hbm>>) dst(%arg8 : memref<80xi32, #tpu.memory_space<vmem>>)
        tpu.yield
      }) : () -> ()
      "tpu.region"() ({
        %run_scoped3A = tpu.sem_alloc : memref<!tpu.dma_semaphore, #tpu.memory_space<semaphore_mem>>
        %dma_start3A_41 = arith.constant 0 : i32
        %dma_start3A_42 = tpu.memref_slice %arg5[%add3A_30, %dma_start3A_41] : memref<320000x128xf32, #tpu.memory_space<hbm>> -> memref<80x128xf32, #tpu.memory_space<hbm>>
        %dma_start3A_43 = arith.constant 0 : i32
        %dma_start3A_44 = tpu.memref_slice %arg5[%add3A_30, %dma_start3A_43] : memref<320000x128xf32, #tpu.memory_space<hbm>> -> memref<80x128xf32, #tpu.memory_space<hbm>>
        tpu.enqueue_dma source(%dma_start3A_44 : memref<80x128xf32, #tpu.memory_space<hbm>>) target(%arg9 : memref<80x128xf32, #tpu.memory_space<vmem>>) target_semaphore(%run_scoped3A : memref<!tpu.dma_semaphore, #tpu.memory_space<semaphore_mem>>)
        %dma_wait3A_45 = arith.constant 0 : i32
        %dma_wait3A_46 = tpu.memref_slice %arg5[%add3A_30, %dma_wait3A_45] : memref<320000x128xf32, #tpu.memory_space<hbm>> -> memref<80x128xf32, #tpu.memory_space<hbm>>
        %dma_wait3A_47 = arith.constant 0 : i32
        %dma_wait3A_48 = tpu.memref_slice %arg5[%add3A_30, %dma_wait3A_47] : memref<320000x128xf32, #tpu.memory_space<hbm>> -> memref<80x128xf32, #tpu.memory_space<hbm>>
        tpu.wait_dma2 semaphore(%run_scoped3A : memref<!tpu.dma_semaphore, #tpu.memory_space<semaphore_mem>>) src(%dma_wait3A_48 : memref<80x128xf32, #tpu.memory_space<hbm>>) dst(%arg9 : memref<80x128xf32, #tpu.memory_space<vmem>>)
        tpu.yield
      }) : () -> ()
      %dma_start3A = arith.constant 0 : i32
      %dma_start3A_31 = arith.constant 0 : i32
      %dma_start3A_32 = tpu.memref_slice %arg2[%dma_start3A, %dma_start3A_31] : memref<10000x128xf32, #tpu.memory_space<hbm>> -> memref<10000x128xf32, #tpu.memory_space<hbm>>
      tpu.enqueue_indirect_dma source(%dma_start3A_32 : memref<10000x128xf32, #tpu.memory_space<hbm>>) target(%arg10 : memref<80x128xf32, #tpu.memory_space<vmem>>) offsets(%arg12 : memref<80xi32, #tpu.memory_space<vmem>>) semaphore(%arg11 : memref<!tpu.dma_semaphore, #tpu.memory_space<semaphore_mem>>)
      %dma_wait3A = arith.constant 0 : i32
      %dma_wait3A_33 = arith.constant 0 : i32
      %dma_wait3A_34 = tpu.memref_slice %arg2[%dma_wait3A, %dma_wait3A_33] : memref<10000x128xf32, #tpu.memory_space<hbm>> -> memref<10000x128xf32, #tpu.memory_space<hbm>>
      tpu.wait_indirect_dma semaphore(%arg11 : memref<!tpu.dma_semaphore, #tpu.memory_space<semaphore_mem>>) src(%dma_wait3A_34 : memref<10000x128xf32, #tpu.memory_space<hbm>>) dst(%arg10 : memref<80x128xf32, #tpu.memory_space<vmem>>)
      %scan3A_35 = arith.constant 0 : i32
      %scan3A_36 = arith.constant 0 : i32
      %scan3A_37 = arith.constant 80 : i32
      %scan3A_38 = arith.addi %scan3A_36, %scan3A_37 : i32
      %scan3A_39 = arith.constant 1 : i32
      scf.for %scan3A_41 = %scan3A_36 to %scan3A_38 step %scan3A_39  : i32 {
        %get3A = arith.index_cast %scan3A_41 : i32 to index
        %get3A_42 = arith.constant 0 : index
        %get3A_43 = tpu.vector_load %arg10[%get3A, %get3A_42] {strides = array<i32>} : memref<80x128xf32, #tpu.memory_space<vmem>>, vector<1x16xf32>,
        %get3A_44 = vector.shape_cast %get3A_43 : vector<1x16xf32> to vector<16xf32>
        %get3A_45 = arith.index_cast %scan3A_41 : i32 to index
        %get3A_46 = arith.constant 0 : index
        %get3A_47 = tpu.vector_load %arg9[%get3A_45, %get3A_46] {strides = array<i32>} : memref<80x128xf32, #tpu.memory_space<vmem>>, vector<1x16xf32>,
        %get3A_48 = vector.shape_cast %get3A_47 : vector<1x16xf32> to vector<16xf32>
        %add3A_49 = arith.addf %get3A_44, %get3A_48 : vector<16xf32>
        %max3A = arith.constant 0.000000e+00 : f32
        %max3A_50 = vector.broadcast %max3A : f32 to vector<16xf32>
        %max3A_51 = arith.maximumf %add3A_49, %max3A_50 : vector<16xf32>
        %swap3A = arith.index_cast %scan3A_41 : i32 to index
        %swap3A_52 = arith.constant 0 : index
        %swap3A_53 = tpu.vector_load %arg9[%swap3A, %swap3A_52] {strides = array<i32>} : memref<80x128xf32, #tpu.memory_space<vmem>>, vector<1x16xf32>,
        %swap3A_54 = vector.shape_cast %swap3A_53 : vector<1x16xf32> to vector<16xf32>
        %swap3A_55 = vector.shape_cast %max3A_51 : vector<16xf32> to vector<1x16xf32>
        tpu.vector_store %arg9[%swap3A, %swap3A_52], %swap3A_55 {strides = array<i32>} : memref<80x128xf32, #tpu.memory_space<vmem>>, vector<1x16xf32>,
        %get3A_56 = arith.index_cast %scan3A_41 : i32 to index
        %get3A_57 = arith.constant 16 : index
        %get3A_58 = tpu.vector_load %arg10[%get3A_56, %get3A_57] {strides = array<i32>} : memref<80x128xf32, #tpu.memory_space<vmem>>, vector<1x16xf32>,
        %get3A_59 = vector.shape_cast %get3A_58 : vector<1x16xf32> to vector<16xf32>
        %get3A_60 = arith.index_cast %scan3A_41 : i32 to index
        %get3A_61 = arith.constant 16 : index
        %get3A_62 = tpu.vector_load %arg9[%get3A_60, %get3A_61] {strides = array<i32>} : memref<80x128xf32, #tpu.memory_space<vmem>>, vector<1x16xf32>,
        %get3A_63 = vector.shape_cast %get3A_62 : vector<1x16xf32> to vector<16xf32>
        %add3A_64 = arith.addf %get3A_59, %get3A_63 : vector<16xf32>
        %max3A_65 = arith.constant 0.000000e+00 : f32
        %max3A_66 = vector.broadcast %max3A_65 : f32 to vector<16xf32>
        %max3A_67 = arith.maximumf %add3A_64, %max3A_66 : vector<16xf32>
        %swap3A_68 = arith.index_cast %scan3A_41 : i32 to index
        %swap3A_69 = arith.constant 16 : index
        %swap3A_70 = tpu.vector_load %arg9[%swap3A_68, %swap3A_69] {strides = array<i32>} : memref<80x128xf32, #tpu.memory_space<vmem>>, vector<1x16xf32>,
        %swap3A_71 = vector.shape_cast %swap3A_70 : vector<1x16xf32> to vector<16xf32>
        %swap3A_72 = vector.shape_cast %max3A_67 : vector<16xf32> to vector<1x16xf32>
        tpu.vector_store %arg9[%swap3A_68, %swap3A_69], %swap3A_72 {strides = array<i32>} : memref<80x128xf32, #tpu.memory_space<vmem>>, vector<1x16xf32>,
        %get3A_73 = arith.index_cast %scan3A_41 : i32 to index
        %get3A_74 = arith.constant 32 : index
        %get3A_75 = tpu.vector_load %arg10[%get3A_73, %get3A_74] {strides = array<i32>} : memref<80x128xf32, #tpu.memory_space<vmem>>, vector<1x16xf32>,
        %get3A_76 = vector.shape_cast %get3A_75 : vector<1x16xf32> to vector<16xf32>
        %get3A_77 = arith.index_cast %scan3A_41 : i32 to index
        %get3A_78 = arith.constant 32 : index
        %get3A_79 = tpu.vector_load %arg9[%get3A_77, %get3A_78] {strides = array<i32>} : memref<80x128xf32, #tpu.memory_space<vmem>>, vector<1x16xf32>,
        %get3A_80 = vector.shape_cast %get3A_79 : vector<1x16xf32> to vector<16xf32>
        %add3A_81 = arith.addf %get3A_76, %get3A_80 : vector<16xf32>
        %max3A_82 = arith.constant 0.000000e+00 : f32
        %max3A_83 = vector.broadcast %max3A_82 : f32 to vector<16xf32>
        %max3A_84 = arith.maximumf %add3A_81, %max3A_83 : vector<16xf32>
        %swap3A_85 = arith.index_cast %scan3A_41 : i32 to index
        %swap3A_86 = arith.constant 32 : index
        %swap3A_87 = tpu.vector_load %arg9[%swap3A_85, %swap3A_86] {strides = array<i32>} : memref<80x128xf32, #tpu.memory_space<vmem>>, vector<1x16xf32>,
        %swap3A_88 = vector.shape_cast %swap3A_87 : vector<1x16xf32> to vector<16xf32>
        %swap3A_89 = vector.shape_cast %max3A_84 : vector<16xf32> to vector<1x16xf32>
        tpu.vector_store %arg9[%swap3A_85, %swap3A_86], %swap3A_89 {strides = array<i32>} : memref<80x128xf32, #tpu.memory_space<vmem>>, vector<1x16xf32>,
        %get3A_90 = arith.index_cast %scan3A_41 : i32 to index
        %get3A_91 = arith.constant 48 : index
        %get3A_92 = tpu.vector_load %arg10[%get3A_90, %get3A_91] {strides = array<i32>} : memref<80x128xf32, #tpu.memory_space<vmem>>, vector<1x16xf32>,
        %get3A_93 = vector.shape_cast %get3A_92 : vector<1x16xf32> to vector<16xf32>
        %get3A_94 = arith.index_cast %scan3A_41 : i32 to index
        %get3A_95 = arith.constant 48 : index
        %get3A_96 = tpu.vector_load %arg9[%get3A_94, %get3A_95] {strides = array<i32>} : memref<80x128xf32, #tpu.memory_space<vmem>>, vector<1x16xf32>,
        %get3A_97 = vector.shape_cast %get3A_96 : vector<1x16xf32> to vector<16xf32>
        %add3A_98 = arith.addf %get3A_93, %get3A_97 : vector<16xf32>
        %max3A_99 = arith.constant 0.000000e+00 : f32
        %max3A_100 = vector.broadcast %max3A_99 : f32 to vector<16xf32>
        %max3A_101 = arith.maximumf %add3A_98, %max3A_100 : vector<16xf32>
        %swap3A_102 = arith.index_cast %scan3A_41 : i32 to index
        %swap3A_103 = arith.constant 48 : index
        %swap3A_104 = tpu.vector_load %arg9[%swap3A_102, %swap3A_103] {strides = array<i32>} : memref<80x128xf32, #tpu.memory_space<vmem>>, vector<1x16xf32>,
        %swap3A_105 = vector.shape_cast %swap3A_104 : vector<1x16xf32> to vector<16xf32>
        %swap3A_106 = vector.shape_cast %max3A_101 : vector<16xf32> to vector<1x16xf32>
        tpu.vector_store %arg9[%swap3A_102, %swap3A_103], %swap3A_106 {strides = array<i32>} : memref<80x128xf32, #tpu.memory_space<vmem>>, vector<1x16xf32>,
        %get3A_107 = arith.index_cast %scan3A_41 : i32 to index
        %get3A_108 = arith.constant 64 : index
        %get3A_109 = tpu.vector_load %arg10[%get3A_107, %get3A_108] {strides = array<i32>} : memref<80x128xf32, #tpu.memory_space<vmem>>, vector<1x16xf32>,
        %get3A_110 = vector.shape_cast %get3A_109 : vector<1x16xf32> to vector<16xf32>
        %get3A_111 = arith.index_cast %scan3A_41 : i32 to index
        %get3A_112 = arith.constant 64 : index
        %get3A_113 = tpu.vector_load %arg9[%get3A_111, %get3A_112] {strides = array<i32>} : memref<80x128xf32, #tpu.memory_space<vmem>>, vector<1x16xf32>,
        %get3A_114 = vector.shape_cast %get3A_113 : vector<1x16xf32> to vector<16xf32>
        %add3A_115 = arith.addf %get3A_110, %get3A_114 : vector<16xf32>
        %max3A_116 = arith.constant 0.000000e+00 : f32
        %max3A_117 = vector.broadcast %max3A_116 : f32 to vector<16xf32>
        %max3A_118 = arith.maximumf %add3A_115, %max3A_117 : vector<16xf32>
        %swap3A_119 = arith.index_cast %scan3A_41 : i32 to index
        %swap3A_120 = arith.constant 64 : index
        %swap3A_121 = tpu.vector_load %arg9[%swap3A_119, %swap3A_120] {strides = array<i32>} : memref<80x128xf32, #tpu.memory_space<vmem>>, vector<1x16xf32>,
        %swap3A_122 = vector.shape_cast %swap3A_121 : vector<1x16xf32> to vector<16xf32>
        %swap3A_123 = vector.shape_cast %max3A_118 : vector<16xf32> to vector<1x16xf32>
        tpu.vector_store %arg9[%swap3A_119, %swap3A_120], %swap3A_123 {strides = array<i32>} : memref<80x128xf32, #tpu.memory_space<vmem>>, vector<1x16xf32>,
        %get3A_124 = arith.index_cast %scan3A_41 : i32 to index
        %get3A_125 = arith.constant 80 : index
        %get3A_126 = tpu.vector_load %arg10[%get3A_124, %get3A_125] {strides = array<i32>} : memref<80x128xf32, #tpu.memory_space<vmem>>, vector<1x16xf32>,
        %get3A_127 = vector.shape_cast %get3A_126 : vector<1x16xf32> to vector<16xf32>
        %get3A_128 = arith.index_cast %scan3A_41 : i32 to index
        %get3A_129 = arith.constant 80 : index
        %get3A_130 = tpu.vector_load %arg9[%get3A_128, %get3A_129] {strides = array<i32>} : memref<80x128xf32, #tpu.memory_space<vmem>>, vector<1x16xf32>,
        %get3A_131 = vector.shape_cast %get3A_130 : vector<1x16xf32> to vector<16xf32>
        %add3A_132 = arith.addf %get3A_127, %get3A_131 : vector<16xf32>
        %max3A_133 = arith.constant 0.000000e+00 : f32
        %max3A_134 = vector.broadcast %max3A_133 : f32 to vector<16xf32>
        %max3A_135 = arith.maximumf %add3A_132, %max3A_134 : vector<16xf32>
        %swap3A_136 = arith.index_cast %scan3A_41 : i32 to index
        %swap3A_137 = arith.constant 80 : index
        %swap3A_138 = tpu.vector_load %arg9[%swap3A_136, %swap3A_137] {strides = array<i32>} : memref<80x128xf32, #tpu.memory_space<vmem>>, vector<1x16xf32>,
        %swap3A_139 = vector.shape_cast %swap3A_138 : vector<1x16xf32> to vector<16xf32>
        %swap3A_140 = vector.shape_cast %max3A_135 : vector<16xf32> to vector<1x16xf32>
        tpu.vector_store %arg9[%swap3A_136, %swap3A_137], %swap3A_140 {strides = array<i32>} : memref<80x128xf32, #tpu.memory_space<vmem>>, vector<1x16xf32>,
        %get3A_141 = arith.index_cast %scan3A_41 : i32 to index
        %get3A_142 = arith.constant 96 : index
        %get3A_143 = tpu.vector_load %arg10[%get3A_141, %get3A_142] {strides = array<i32>} : memref<80x128xf32, #tpu.memory_space<vmem>>, vector<1x16xf32>,
        %get3A_144 = vector.shape_cast %get3A_143 : vector<1x16xf32> to vector<16xf32>
        %get3A_145 = arith.index_cast %scan3A_41 : i32 to index
        %get3A_146 = arith.constant 96 : index
        %get3A_147 = tpu.vector_load %arg9[%get3A_145, %get3A_146] {strides = array<i32>} : memref<80x128xf32, #tpu.memory_space<vmem>>, vector<1x16xf32>,
        %get3A_148 = vector.shape_cast %get3A_147 : vector<1x16xf32> to vector<16xf32>
        %add3A_149 = arith.addf %get3A_144, %get3A_148 : vector<16xf32>
        %max3A_150 = arith.constant 0.000000e+00 : f32
        %max3A_151 = vector.broadcast %max3A_150 : f32 to vector<16xf32>
        %max3A_152 = arith.maximumf %add3A_149, %max3A_151 : vector<16xf32>
        %swap3A_153 = arith.index_cast %scan3A_41 : i32 to index
        %swap3A_154 = arith.constant 96 : index
        %swap3A_155 = tpu.vector_load %arg9[%swap3A_153, %swap3A_154] {strides = array<i32>} : memref<80x128xf32, #tpu.memory_space<vmem>>, vector<1x16xf32>,
        %swap3A_156 = vector.shape_cast %swap3A_155 : vector<1x16xf32> to vector<16xf32>
        %swap3A_157 = vector.shape_cast %max3A_152 : vector<16xf32> to vector<1x16xf32>
        tpu.vector_store %arg9[%swap3A_153, %swap3A_154], %swap3A_157 {strides = array<i32>} : memref<80x128xf32, #tpu.memory_space<vmem>>, vector<1x16xf32>,
        %get3A_158 = arith.index_cast %scan3A_41 : i32 to index
        %get3A_159 = arith.constant 112 : index
        %get3A_160 = tpu.vector_load %arg10[%get3A_158, %get3A_159] {strides = array<i32>} : memref<80x128xf32, #tpu.memory_space<vmem>>, vector<1x16xf32>,
        %get3A_161 = vector.shape_cast %get3A_160 : vector<1x16xf32> to vector<16xf32>
        %get3A_162 = arith.index_cast %scan3A_41 : i32 to index
        %get3A_163 = arith.constant 112 : index
        %get3A_164 = tpu.vector_load %arg9[%get3A_162, %get3A_163] {strides = array<i32>} : memref<80x128xf32, #tpu.memory_space<vmem>>, vector<1x16xf32>,
        %get3A_165 = vector.shape_cast %get3A_164 : vector<1x16xf32> to vector<16xf32>
        %add3A_166 = arith.addf %get3A_161, %get3A_165 : vector<16xf32>
        %max3A_167 = arith.constant 0.000000e+00 : f32
        %max3A_168 = vector.broadcast %max3A_167 : f32 to vector<16xf32>
        %max3A_169 = arith.maximumf %add3A_166, %max3A_168 : vector<16xf32>
        %swap3A_170 = arith.index_cast %scan3A_41 : i32 to index
        %swap3A_171 = arith.constant 112 : index
        %swap3A_172 = tpu.vector_load %arg9[%swap3A_170, %swap3A_171] {strides = array<i32>} : memref<80x128xf32, #tpu.memory_space<vmem>>, vector<1x16xf32>,
        %swap3A_173 = vector.shape_cast %swap3A_172 : vector<1x16xf32> to vector<16xf32>
        %swap3A_174 = vector.shape_cast %max3A_169 : vector<16xf32> to vector<1x16xf32>
        tpu.vector_store %arg9[%swap3A_170, %swap3A_171], %swap3A_174 {strides = array<i32>} : memref<80x128xf32, #tpu.memory_space<vmem>>, vector<1x16xf32>,
      }
      %scan3A_40 = arith.constant 80 : i32
      "tpu.region"() ({
        %run_scoped3A = tpu.sem_alloc : memref<!tpu.dma_semaphore, #tpu.memory_space<semaphore_mem>>
        %dma_start3A_41 = arith.constant 0 : i32
        %dma_start3A_42 = arith.constant 0 : i32
        %dma_start3A_43 = tpu.memref_slice %arg7[%dma_start3A_41, %dma_start3A_42] : memref<10240x128xf32, #tpu.memory_space<vmem_shared>> -> memref<10240x128xf32, #tpu.memory_space<vmem_shared>>
        tpu.enqueue_indirect_dma source(%arg9 : memref<80x128xf32, #tpu.memory_space<vmem>>) target(%dma_start3A_43 : memref<10240x128xf32, #tpu.memory_space<vmem_shared>>) offsets(%arg8 : memref<80xi32, #tpu.memory_space<vmem>>) semaphore(%run_scoped3A : memref<!tpu.dma_semaphore, #tpu.memory_space<semaphore_mem>>) {add = true}
        %dma_wait3A_44 = arith.constant 0 : i32
        %dma_wait3A_45 = arith.constant 0 : i32
        %dma_wait3A_46 = tpu.memref_slice %arg7[%dma_wait3A_44, %dma_wait3A_45] : memref<10240x128xf32, #tpu.memory_space<vmem_shared>> -> memref<10240x128xf32, #tpu.memory_space<vmem_shared>>
        tpu.wait_indirect_dma semaphore(%run_scoped3A : memref<!tpu.dma_semaphore, #tpu.memory_space<semaphore_mem>>) src(%arg9 : memref<80x128xf32, #tpu.memory_space<vmem>>) dst(%dma_wait3A_46 : memref<10240x128xf32, #tpu.memory_space<vmem_shared>>)
        tpu.yield
      }) : () -> ()
    }
    %scan3A_25 = arith.constant 125 : i32
    %barrier3A_26 = arith.constant 0 : index
    tpu.barrier barrier_id(%barrier3A_26)
    "tpu.region"() ({
      %run_scoped3A = tpu.sem_alloc : memref<!tpu.dma_semaphore, #tpu.memory_space<semaphore_mem>>
      %dma_start3A = arith.constant 0 : i32
      %dma_start3A_27 = tpu.memref_slice %arg6[%arg0, %mul3A_7, %dma_start3A] : memref<2x10240x128xf32, #tpu.memory_space<hbm>> -> memref<1x640x128xf32, #tpu.memory_space<hbm>>
      %dma_start3A_28 = tpu.memref_squeeze %dma_start3A_27 : memref<1x640x128xf32, #tpu.memory_space<hbm>> -> memref<640x128xf32, #tpu.memory_space<hbm>>
      %dma_start3A_29 = arith.constant 0 : i32
      %dma_start3A_30 = tpu.memref_slice %arg7[%mul3A_7, %dma_start3A_29] : memref<10240x128xf32, #tpu.memory_space<vmem_shared>> -> memref<640x128xf32, #tpu.memory_space<vmem_shared>>
      tpu.enqueue_dma source(%dma_start3A_30 : memref<640x128xf32, #tpu.memory_space<vmem_shared>>) target(%dma_start3A_28 : memref<640x128xf32, #tpu.memory_space<hbm>>) target_semaphore(%run_scoped3A : memref<!tpu.dma_semaphore, #tpu.memory_space<semaphore_mem>>)
      %dma_wait3A = arith.constant 0 : i32
      %dma_wait3A_31 = tpu.memref_slice %arg6[%arg0, %mul3A_7, %dma_wait3A] : memref<2x10240x128xf32, #tpu.memory_space<hbm>> -> memref<1x640x128xf32, #tpu.memory_space<hbm>>
      %dma_wait3A_32 = tpu.memref_squeeze %dma_wait3A_31 : memref<1x640x128xf32, #tpu.memory_space<hbm>> -> memref<640x128xf32, #tpu.memory_space<hbm>>
      %dma_wait3A_33 = arith.constant 0 : i32
      %dma_wait3A_34 = tpu.memref_slice %arg7[%mul3A_7, %dma_wait3A_33] : memref<10240x128xf32, #tpu.memory_space<vmem_shared>> -> memref<640x128xf32, #tpu.memory_space<vmem_shared>>
      tpu.wait_dma2 semaphore(%run_scoped3A : memref<!tpu.dma_semaphore, #tpu.memory_space<semaphore_mem>>) src(%dma_wait3A_34 : memref<640x128xf32, #tpu.memory_space<vmem_shared>>) dst(%dma_wait3A_32 : memref<640x128xf32, #tpu.memory_space<hbm>>)
      tpu.yield
    }) : () -> ()
    return
  }
}

module attributes {stable_mosaic.version = 14 : i64} {
  func.func @_pre_body(%arg0: i32, %arg1: memref<2000x128xf32, #tpu.memory_space<vmem>>, %arg2: memref<128x128xf32, #tpu.memory_space<vmem>>, %arg3: memref<1x128xf32, #tpu.memory_space<vmem>>, %arg4: memref<2000x128xf32, #tpu.memory_space<vmem>>) attributes {dimension_semantics = [#tpu.dimension_semantics<arbitrary>], iteration_bounds = array<i64: 5>, scalar_prefetch = 0 : i64, scratch_operands = 0 : i64, tpu.core_type = #tpu.core_type<tc>, window_params = [{transform_indices = @transform_0, window_bounds = array<i64: 2000, 128>}, {pipeline_mode = #tpu.pipeline_mode<synchronous>, transform_indices = @transform_1, window_bounds = array<i64: 128, 128>}, {pipeline_mode = #tpu.pipeline_mode<synchronous>, transform_indices = @transform_2, window_bounds = array<i64: 1, 128>}, {transform_indices = @transform_3, window_bounds = array<i64: 2000, 128>}]} {
    %get3A = arith.constant 0 : index
    %get3A_0 = arith.constant 0 : index
    %get3A_1 = vector.load %arg1[%get3A, %get3A_0] : memref<2000x128xf32, #tpu.memory_space<vmem>>, vector<2000x128xf32>
    %get3A_2 = arith.constant 0 : index
    %get3A_3 = arith.constant 0 : index
    %get3A_4 = vector.load %arg2[%get3A_2, %get3A_3] : memref<128x128xf32, #tpu.memory_space<vmem>>, vector<128x128xf32>
    %dot_general3A = arith.constant dense<0.000000e+00> : vector<2000x128xf32>
    %dot_general3A_5 = tpu.matmul %get3A_1, %get3A_4, %dot_general3A {dimension_numbers = #tpu.dot_dimension_numbers<[1], [0], [0], [1], [0, 0, 1, 1], [], []>, transpose_lhs_hint = false} : vector<2000x128xf32>, vector<128x128xf32>, vector<2000x128xf32> -> vector<2000x128xf32>
    %get3A_6 = arith.constant 0 : index
    %get3A_7 = arith.constant 0 : index
    %get3A_8 = vector.load %arg3[%get3A_6, %get3A_7] : memref<1x128xf32, #tpu.memory_space<vmem>>, vector<1x128xf32>
    %add3A = vector.broadcast %get3A_8 : vector<1x128xf32> to vector<2000x128xf32>
    %add3A_9 = arith.addf %dot_general3A_5, %add3A : vector<2000x128xf32>
    %max3A = arith.constant 0.000000e+00 : f32
    %max3A_10 = vector.broadcast %max3A : f32 to vector<2000x128xf32>
    %max3A_11 = arith.maximumf %add3A_9, %max3A_10 : vector<2000x128xf32>
    %swap3A = arith.constant 0 : index
    %swap3A_12 = arith.constant 0 : index
    %swap3A_13 = vector.load %arg4[%swap3A, %swap3A_12] : memref<2000x128xf32, #tpu.memory_space<vmem>>, vector<2000x128xf32>
    tpu.vector_store %arg4[%swap3A, %swap3A_12], %max3A_11 {strides = array<i32>} : memref<2000x128xf32, #tpu.memory_space<vmem>>, vector<2000x128xf32>,
    return
  }
  func.func @transform_0(%arg0: i32) -> (i32, i32) {
    %c0_i32 = arith.constant 0 : i32
    %c0_i32_0 = arith.constant 0 : i32
    return %arg0, %c0_i32 : i32, i32
  }
  func.func @transform_1(%arg0: i32) -> (i32, i32) {
    %c0_i32 = arith.constant 0 : i32
    %c0_i32_0 = arith.constant 0 : i32
    %c0_i32_1 = arith.constant 0 : i32
    return %c0_i32, %c0_i32_0 : i32, i32
  }
  func.func @transform_2(%arg0: i32) -> (i32, i32) {
    %c0_i32 = arith.constant 0 : i32
    %c0_i32_0 = arith.constant 0 : i32
    %c0_i32_1 = arith.constant 0 : i32
    return %c0_i32, %c0_i32_0 : i32, i32
  }
  func.func @transform_3(%arg0: i32) -> (i32, i32) {
    %c0_i32 = arith.constant 0 : i32
    %c0_i32_0 = arith.constant 0 : i32
    return %arg0, %c0_i32 : i32, i32
  }
}

module attributes {stable_mosaic.version = 14 : i64} {
  func.func @_mlp_body(%arg0: i32, %arg1: memref<2000x128xf32, #tpu.memory_space<vmem>>, %arg2: memref<2x2000x128xf32, #tpu.memory_space<vmem>>, %arg3: memref<128x128xf32, #tpu.memory_space<vmem>>, %arg4: memref<1x128xf32, #tpu.memory_space<vmem>>, %arg5: memref<128x128xf32, #tpu.memory_space<vmem>>, %arg6: memref<1x128xf32, #tpu.memory_space<vmem>>, %arg7: memref<2000x128xf32, #tpu.memory_space<vmem>>) attributes {dimension_semantics = [#tpu.dimension_semantics<arbitrary>], iteration_bounds = array<i64: 5>, scalar_prefetch = 0 : i64, scratch_operands = 0 : i64, tpu.core_type = #tpu.core_type<tc>, window_params = [{transform_indices = @transform_0, window_bounds = array<i64: 2000, 128>}, {transform_indices = @transform_1, window_bounds = array<i64: 2, 2000, 128>}, {pipeline_mode = #tpu.pipeline_mode<synchronous>, transform_indices = @transform_2, window_bounds = array<i64: 128, 128>}, {pipeline_mode = #tpu.pipeline_mode<synchronous>, transform_indices = @transform_3, window_bounds = array<i64: 1, 128>}, {pipeline_mode = #tpu.pipeline_mode<synchronous>, transform_indices = @transform_4, window_bounds = array<i64: 128, 128>}, {pipeline_mode = #tpu.pipeline_mode<synchronous>, transform_indices = @transform_5, window_bounds = array<i64: 1, 128>}, {transform_indices = @transform_6, window_bounds = array<i64: 2000, 128>}]} {
    %get3A = arith.constant 0 : index
    %get3A_0 = arith.constant 0 : index
    %get3A_1 = vector.load %arg1[%get3A, %get3A_0] : memref<2000x128xf32, #tpu.memory_space<vmem>>, vector<2000x128xf32>
    %get3A_2 = arith.constant 0 : index
    %get3A_3 = arith.constant 0 : index
    %get3A_4 = arith.constant 0 : index
    %get3A_5 = vector.load %arg2[%get3A_2, %get3A_3, %get3A_4] : memref<2x2000x128xf32, #tpu.memory_space<vmem>>, vector<1x2000x128xf32>
    %get3A_6 = vector.shape_cast %get3A_5 : vector<1x2000x128xf32> to vector<2000x128xf32>
    %add3A = arith.addf %get3A_1, %get3A_6 : vector<2000x128xf32>
    %get3A_7 = arith.constant 1 : index
    %get3A_8 = arith.constant 0 : index
    %get3A_9 = arith.constant 0 : index
    %get3A_10 = vector.load %arg2[%get3A_7, %get3A_8, %get3A_9] : memref<2x2000x128xf32, #tpu.memory_space<vmem>>, vector<1x2000x128xf32>
    %get3A_11 = vector.shape_cast %get3A_10 : vector<1x2000x128xf32> to vector<2000x128xf32>
    %add3A_12 = arith.addf %add3A, %get3A_11 : vector<2000x128xf32>
    %get3A_13 = arith.constant 0 : index
    %get3A_14 = arith.constant 0 : index
    %get3A_15 = vector.load %arg3[%get3A_13, %get3A_14] : memref<128x128xf32, #tpu.memory_space<vmem>>, vector<128x128xf32>
    %dot_general3A = arith.constant dense<0.000000e+00> : vector<2000x128xf32>
    %dot_general3A_16 = tpu.matmul %add3A_12, %get3A_15, %dot_general3A {dimension_numbers = #tpu.dot_dimension_numbers<[1], [0], [0], [1], [0, 0, 1, 1], [], []>, transpose_lhs_hint = false} : vector<2000x128xf32>, vector<128x128xf32>, vector<2000x128xf32> -> vector<2000x128xf32>
    %get3A_17 = arith.constant 0 : index
    %get3A_18 = arith.constant 0 : index
    %get3A_19 = vector.load %arg4[%get3A_17, %get3A_18] : memref<1x128xf32, #tpu.memory_space<vmem>>, vector<1x128xf32>
    %add3A_20 = vector.broadcast %get3A_19 : vector<1x128xf32> to vector<2000x128xf32>
    %add3A_21 = arith.addf %dot_general3A_16, %add3A_20 : vector<2000x128xf32>
    %max3A = arith.constant 0.000000e+00 : f32
    %max3A_22 = vector.broadcast %max3A : f32 to vector<2000x128xf32>
    %max3A_23 = arith.maximumf %add3A_21, %max3A_22 : vector<2000x128xf32>
    %get3A_24 = arith.constant 0 : index
    %get3A_25 = arith.constant 0 : index
    %get3A_26 = vector.load %arg5[%get3A_24, %get3A_25] : memref<128x128xf32, #tpu.memory_space<vmem>>, vector<128x128xf32>
    %dot_general3A_27 = arith.constant dense<0.000000e+00> : vector<2000x128xf32>
    %dot_general3A_28 = tpu.matmul %max3A_23, %get3A_26, %dot_general3A_27 {dimension_numbers = #tpu.dot_dimension_numbers<[1], [0], [0], [1], [0, 0, 1, 1], [], []>, transpose_lhs_hint = false} : vector<2000x128xf32>, vector<128x128xf32>, vector<2000x128xf32> -> vector<2000x128xf32>
    %get3A_29 = arith.constant 0 : index
    %get3A_30 = arith.constant 0 : index
    %get3A_31 = vector.load %arg6[%get3A_29, %get3A_30] : memref<1x128xf32, #tpu.memory_space<vmem>>, vector<1x128xf32>
    %add3A_32 = vector.broadcast %get3A_31 : vector<1x128xf32> to vector<2000x128xf32>
    %add3A_33 = arith.addf %dot_general3A_28, %add3A_32 : vector<2000x128xf32>
    %max3A_34 = arith.constant 0.000000e+00 : f32
    %max3A_35 = vector.broadcast %max3A_34 : f32 to vector<2000x128xf32>
    %max3A_36 = arith.maximumf %add3A_33, %max3A_35 : vector<2000x128xf32>
    %add3A_37 = arith.addf %get3A_1, %max3A_36 : vector<2000x128xf32>
    %swap3A = arith.constant 0 : index
    %swap3A_38 = arith.constant 0 : index
    %swap3A_39 = vector.load %arg7[%swap3A, %swap3A_38] : memref<2000x128xf32, #tpu.memory_space<vmem>>, vector<2000x128xf32>
    tpu.vector_store %arg7[%swap3A, %swap3A_38], %add3A_37 {strides = array<i32>} : memref<2000x128xf32, #tpu.memory_space<vmem>>, vector<2000x128xf32>,
    return
  }
  func.func @transform_0(%arg0: i32) -> (i32, i32) {
    %c0_i32 = arith.constant 0 : i32
    %c0_i32_0 = arith.constant 0 : i32
    return %arg0, %c0_i32 : i32, i32
  }
  func.func @transform_1(%arg0: i32) -> (i32, i32, i32) {
    %c0_i32 = arith.constant 0 : i32
    %c0_i32_0 = arith.constant 0 : i32
    %c0_i32_1 = arith.constant 0 : i32
    return %c0_i32, %arg0, %c0_i32_0 : i32, i32, i32
  }
  func.func @transform_2(%arg0: i32) -> (i32, i32) {
    %c0_i32 = arith.constant 0 : i32
    %c0_i32_0 = arith.constant 0 : i32
    %c0_i32_1 = arith.constant 0 : i32
    return %c0_i32, %c0_i32_0 : i32, i32
  }
  func.func @transform_3(%arg0: i32) -> (i32, i32) {
    %c0_i32 = arith.constant 0 : i32
    %c0_i32_0 = arith.constant 0 : i32
    %c0_i32_1 = arith.constant 0 : i32
    return %c0_i32, %c0_i32_0 : i32, i32
  }
  func.func @transform_4(%arg0: i32) -> (i32, i32) {
    %c0_i32 = arith.constant 0 : i32
    %c0_i32_0 = arith.constant 0 : i32
    %c0_i32_1 = arith.constant 0 : i32
    return %c0_i32, %c0_i32_0 : i32, i32
  }
  func.func @transform_5(%arg0: i32) -> (i32, i32) {
    %c0_i32 = arith.constant 0 : i32
    %c0_i32_0 = arith.constant 0 : i32
    %c0_i32_1 = arith.constant 0 : i32
    return %c0_i32, %c0_i32_0 : i32, i32
  }
  func.func @transform_6(%arg0: i32) -> (i32, i32) {
    %c0_i32 = arith.constant 0 : i32
    %c0_i32_0 = arith.constant 0 : i32
    return %arg0, %c0_i32 : i32, i32
  }
}

module attributes {stable_mosaic.version = 14 : i64} {
  func.func @_head_body(%arg0: i32, %arg1: memref<2000x128xf32, #tpu.memory_space<vmem>>, %arg2: memref<128x40xf32, #tpu.memory_space<vmem>>, %arg3: memref<1x40xf32, #tpu.memory_space<vmem>>, %arg4: memref<2000x40xf32, #tpu.memory_space<vmem>>) attributes {dimension_semantics = [#tpu.dimension_semantics<arbitrary>], iteration_bounds = array<i64: 5>, scalar_prefetch = 0 : i64, scratch_operands = 0 : i64, tpu.core_type = #tpu.core_type<tc>, window_params = [{transform_indices = @transform_0, window_bounds = array<i64: 2000, 128>}, {pipeline_mode = #tpu.pipeline_mode<synchronous>, transform_indices = @transform_1, window_bounds = array<i64: 128, 40>}, {pipeline_mode = #tpu.pipeline_mode<synchronous>, transform_indices = @transform_2, window_bounds = array<i64: 1, 40>}, {transform_indices = @transform_3, window_bounds = array<i64: 2000, 40>}]} {
    %get3A = arith.constant 0 : index
    %get3A_0 = arith.constant 0 : index
    %get3A_1 = vector.load %arg1[%get3A, %get3A_0] : memref<2000x128xf32, #tpu.memory_space<vmem>>, vector<2000x128xf32>
    %get3A_2 = arith.constant 0 : index
    %get3A_3 = arith.constant 0 : index
    %get3A_4 = vector.load %arg2[%get3A_2, %get3A_3] : memref<128x40xf32, #tpu.memory_space<vmem>>, vector<128x40xf32>
    %dot_general3A = arith.constant dense<0.000000e+00> : vector<2000x40xf32>
    %dot_general3A_5 = tpu.matmul %get3A_1, %get3A_4, %dot_general3A {dimension_numbers = #tpu.dot_dimension_numbers<[1], [0], [0], [1], [0, 0, 1, 1], [], []>, transpose_lhs_hint = false} : vector<2000x128xf32>, vector<128x40xf32>, vector<2000x40xf32> -> vector<2000x40xf32>
    %get3A_6 = arith.constant 0 : index
    %get3A_7 = arith.constant 0 : index
    %get3A_8 = vector.load %arg3[%get3A_6, %get3A_7] : memref<1x40xf32, #tpu.memory_space<vmem>>, vector<1x40xf32>
    %add3A = vector.broadcast %get3A_8 : vector<1x40xf32> to vector<2000x40xf32>
    %add3A_9 = arith.addf %dot_general3A_5, %add3A : vector<2000x40xf32>
    %swap3A = arith.constant 0 : index
    %swap3A_10 = arith.constant 0 : index
    %swap3A_11 = vector.load %arg4[%swap3A, %swap3A_10] : memref<2000x40xf32, #tpu.memory_space<vmem>>, vector<2000x40xf32>
    tpu.vector_store %arg4[%swap3A, %swap3A_10], %add3A_9 {strides = array<i32>} : memref<2000x40xf32, #tpu.memory_space<vmem>>, vector<2000x40xf32>,
    return
  }
  func.func @transform_0(%arg0: i32) -> (i32, i32) {
    %c0_i32 = arith.constant 0 : i32
    %c0_i32_0 = arith.constant 0 : i32
    return %arg0, %c0_i32 : i32, i32
  }
  func.func @transform_1(%arg0: i32) -> (i32, i32) {
    %c0_i32 = arith.constant 0 : i32
    %c0_i32_0 = arith.constant 0 : i32
    %c0_i32_1 = arith.constant 0 : i32
    return %c0_i32, %c0_i32_0 : i32, i32
  }
  func.func @transform_2(%arg0: i32) -> (i32, i32) {
    %c0_i32 = arith.constant 0 : i32
    %c0_i32_0 = arith.constant 0 : i32
    %c0_i32_1 = arith.constant 0 : i32
    return %c0_i32, %c0_i32_0 : i32, i32
  }
  func.func @transform_3(%arg0: i32) -> (i32, i32) {
    %c0_i32 = arith.constant 0 : i32
    %c0_i32_0 = arith.constant 0 : i32
    return %arg0, %c0_i32 : i32, i32
  }
}

</mosaic_0001>

<sc_bundles>
// kernel: kernel.10.cloned.1.call-start
scs
__scs_entry_jumppad:
0x0: {  	(pc) =	sbr.rel $0x88, $3  }
0x1: {  	(tag) =	ssettag $0x0;
	lr =	simm.s32 $0x1  }
0x2: {  	[smem:$0x3F96] =	sst lr;
	_ =	strace $0xD0000000  }
0x3: {  	_ = 	snop  }
0x4: {  	_ = 	snop  }
0x5: {  	_ = 	snop  }
0x6: {  	_ = 	snop  }
0x7: {  	_ = 	snop  }
__scs_overlays_trampoline_lowered:
0x8: {  	[smem:$0x3FA5] =	sst s0  }
0x9: {  	[smem:$0x3FA6] =	sst s1  }
0xa: {  	[smem:$0x3FA7] =	sst s2  }
0xb: {  	[smem:$0x3FA8] =	sst s3  }
0xc: {  	[smem:$0x3FA9] =	sst s4  }
0xd: {  	[smem:$0x3FAA] =	sst s5  }
0xe: {  	[smem:$0x3FAB] =	sst s6  }
0xf: {  	[smem:$0x3FAC] =	sst s7  }
0x10: {  	[smem:$0x3FAD] =	sst s8  }
0x11: {  	[smem:$0x3FAE] =	sst s9;
	s0 =	simm.s32 @!p0 $0x0  }
0x12: {  	s1 =	sld [smem:$0x3F94];
	s0 =	simm.s32 @p0 $0x1  }
0x13: {  	[smem:$0x3FAF] =	sst s0;
	s0 =	simm.s32 @!p1 $0x0  }
0x14: {  	s2 =	sld [smem:$0x3F93];
	s0 =	simm.s32 @p1 $0x1  }
0x15: {  	[smem:$0x3FB0] =	sst s0;
	s0 =	simm.s32 @!p2 $0x0  }
0x16: {  	s3 =	sld [smem:$0x3FDB];
	s0 =	simm.s32 @p2 $0x1  }
0x17: {  	s4 =	simm.s32 $0x1BF5;
	[smem:$0x3FB2] =	sst s0  }
0x18: {  	s0 =	sld [smem:$0x3F95];
	_ =	swait.ge [sflag:s4], $0x0  }
0x19: {  	s7 =	sld [smem:$0x3F96]  }
0x1a: {  	s8 =	sadd.s32 $0xFFFFE003, lr  }
0x1b: {  	s9 =	sadd.s32 $0xFFFFFEF7, lr;
	s5 =	simm.s32 $0xFFFFFFFF;
	p2 =	slt.u32 s8, $0xFFFFF086  }
0x1c: {  	p1 =	slt.u32 s9, $0xF7A;
	s5 =	simm.s32 @!p2 $0x0  }
0x1d: {  	s5 =	simm.s32 @p1 $0x1;
	p0 =	seq.s32 s7, s2  }
0x1e: {  	s7 =	smul.u32 @!p0 $0xF7A, s2;
	p2 =	seq.s32 @!p0 s5, $0x0  }
0x1f: {  	s9 =	smul.u32 $0xF7A, s1;
	s8 =	simm.s32 @!p0 $0x1BF5;
	p2 =	por !p2, p0  }
0x20: {  	[sflag:s8] =	ssyncset.s32 @!p0 $0xFFFFF086;
	s6 =	sadd.s32 @!p0 s3, s7;
	s7 =	simm.s32 @!p0 $0x108  }
0x21: {  	s3 =	sadd.s32 s3, s9;
	s6 =	sadd.s32 @!p0 $0x88, s6;
	s7 =	simm.s32 @p2 $0x1082  }
0x22: {  	[simem:s7], [sflag:s8] =	dma.local @!p0 [hbm:s6], $0xF7A  }
0x23: {  	s9 =	sor.u32 $0xD0000000, s2;
	s6 =	simm.s32 $0x108;
	_ =	swait.ge @!p0 [sflag:s8], $0x0  }
0x24: {  	s3 =	sadd.s32 $0x88, s3;
	s6 =	simm.s32 @!p1 $0x1082;
	[sflag:s4] =	ssyncset.s32 $0xFFFFF086  }
0x25: {  	[simem:s6], [sflag:s4] =	dma.local [hbm:s3], $0xF7A  }
0x26: {  	[smem:$0x3F96] =	sst s1;
	(tag) =	ssettag s2;
	_ =	strace s9  }
0x27: {  	s1 =	sld [smem:$0x3FA6]  }
0x28: {  	s2 =	sld [smem:$0x3FA7]  }
0x29: {  	s4 =	sld [smem:$0x3FA9]  }
0x2a: {  	p0 =	seq.s32 s5, $0x0;
	s5 =	sld [smem:$0x3FAA]  }
0x2b: {  	s6 =	sld [smem:$0x3FAB]  }
0x2c: {  	s7 =	sld [smem:$0x3FAC]  }
0x2d: {  	s3 =	simm.s32 $0x108;
	s8 =	sld [smem:$0x3FAD]  }
0x2e: {  	s3 =	simm.s32 @!p0 $0x1082;
	s9 =	sld [smem:$0x3FAE]  }
0x2f: {  	lr =	sadd.s32 s0, s3;
	s0 =	sld [smem:$0x3FA5]  }
0x30: {  	s3 =	sld [smem:$0x3FA8]  }
0x31: {  	[smem:$0x3FB1] =	sst s10  }
0x32: {  	s10 =	sld [smem:$0x3FAF];
	_ =	sdelay $0x3  }
0x33: {  	p0 =	seq.s32 s10, $0x1;
	s10 =	sld [smem:$0x3FB1];
	_ =	sdelay $0x3  }
0x34: {  	[smem:$0x3FB1] =	sst s10  }
0x35: {  	s10 =	sld [smem:$0x3FB0];
	_ =	sdelay $0x3  }
0x36: {  	p1 =	seq.s32 s10, $0x1;
	s10 =	sld [smem:$0x3FB1];
	_ =	sdelay $0x3  }
0x37: {  	[smem:$0x3FB1] =	sst s10  }
0x38: {  	s10 =	sld [smem:$0x3FB2]  }
0x39: {  	_ = 	snop;
	(pc) =	sbr.ind lr, $3  }
0x3a: {  	_ = 	snop  }
0x3b: {  	_ = 	snop  }
0x3c: {  	p2 =	seq.s32 s10, $0x1;
	s10 =	sld [smem:$0x3FB1]  }
0x3d: {  	_ =	shalt  }
0x3e: {  	_ =	shalt  }
0x3f: {  	_ =	shalt  }
0x40: {  	_ =	shalt  }
0x41: {  	_ =	shalt  }
0x42: {  	_ =	shalt  }
0x43: {  	_ =	shalt  }
0x44: {  	_ =	shalt  }
0x45: {  	_ =	shalt  }
0x46: {  	_ =	shalt  }
0x47: {  	_ =	shalt  }
0x48: {  	_ =	shalt  }
0x49: {  	_ =	shalt  }
0x4a: {  	_ =	shalt  }
0x4b: {  	_ =	shalt  }
0x4c: {  	_ =	shalt  }
0x4d: {  	_ =	shalt  }
0x4e: {  	_ =	shalt  }
0x4f: {  	_ =	shalt  }
0x50: {  	_ =	shalt  }
0x51: {  	_ =	shalt  }
0x52: {  	_ =	shalt  }
0x53: {  	_ =	shalt  }
0x54: {  	_ =	shalt  }
0x55: {  	_ =	shalt  }
0x56: {  	_ =	shalt  }
0x57: {  	_ =	shalt  }
0x58: {  	_ =	shalt  }
0x59: {  	_ =	shalt  }
0x5a: {  	_ =	shalt  }
0x5b: {  	_ =	shalt  }
0x5c: {  	_ =	shalt  }
0x5d: {  	_ =	shalt  }
0x5e: {  	_ =	shalt  }
0x5f: {  	_ =	shalt  }
0x60: {  	_ =	shalt  }
0x61: {  	_ =	shalt  }
0x62: {  	_ =	shalt  }
0x63: {  	_ =	shalt  }
0x64: {  	_ =	shalt  }
0x65: {  	_ =	shalt  }
0x66: {  	_ =	shalt  }
0x67: {  	_ =	shalt  }
0x68: {  	_ =	shalt  }
0x69: {  	_ =	shalt  }
0x6a: {  	_ =	shalt  }
0x6b: {  	_ =	shalt  }
0x6c: {  	_ =	shalt  }
0x6d: {  	_ =	shalt  }
0x6e: {  	_ =	shalt  }
0x6f: {  	_ =	shalt  }
0x70: {  	_ =	shalt  }
0x71: {  	_ =	shalt  }
0x72: {  	_ =	shalt  }
0x73: {  	_ =	shalt  }
0x74: {  	_ =	shalt  }
0x75: {  	_ =	shalt  }
0x76: {  	_ =	shalt  }
0x77: {  	_ =	shalt  }
0x78: {  	_ =	shalt  }
0x79: {  	_ =	shalt  }
0x7a: {  	_ =	shalt  }
0x7b: {  	_ =	shalt  }
0x7c: {  	_ =	shalt  }
0x7d: {  	_ =	shalt  }
0x7e: {  	_ =	shalt  }
0x7f: {  	_ =	shalt  }
0x80: {  	_ =	shalt  }
0x81: {  	_ =	shalt  }
0x82: {  	_ =	shalt  }
0x83: {  	_ =	shalt  }
0x84: {  	_ =	shalt  }
0x85: {  	_ =	shalt  }
0x86: {  	_ =	shalt  }
0x87: {  	_ =	shalt  }
.Lfunc_end0:
.L_simem_size_0:
called_computation_lowered:
.L_overlay_start_0:
0x88: {  	s2 =	sld [smem:$0x3FD9]  }
0x89: {  	s3 =	sld [smem:$0x3FFE];
	_ =	sdelay $0x1  }
0x8a: {  	s1 =	srdreg.scid  }
0x8b: {  	s0 =	sand.u32 $0x1, s1  }
0x8c: {  	s17 =	sshll.u32 s0, $0xA;
	s2 =	sadd.s32 s3, s2  }
0x8d: {  	s2 =	sadd.s32 s2, s17  }
0x8e: {  	[smem:$0x3FBD] =	sst s2  }
0x8f: {  	_ = 	snop  }
0x90: {  	s2 =	sld [smem:$0x3FC7]  }
0x91: {  	s18 =	sld [smem:$0x3FD0];
	(tm) =	ssettm $0x1  }
0x92: {  	s4 =	sld [smem:$0x3FFB];
	_ =	sdelay $0x3  }
0x93: {  	_ =	strace s4  }
0x94: {  	s4 =	sld [smem:$0x3FFC];
	_ =	sdelay $0x3  }
0x95: {  	_ =	strace s4  }
0x96: {  	s4 =	sld [smem:$0x3FFD];
	_ =	sdelay $0x3  }
0x97: {  	_ =	strace s4  }
0x98: {  	_ =	strace $0x8FFFFFFF  }
0x99: {  	s19 =	sld [smem:$0x3FDB];
	_ =	sdelay $0x1  }
0x9a: {  	s5 =	simm.s32 $_scs_section_size  }
0x9b: {  	s6 =	simm.s32 $_size__tile_overlayer_lowered;
	s7 =	simm.s32 $_tile_overlayer_lowered  }
0x9c: {  	s22 =	simm.s32 $0x1BFF;
	s21 =	sshll.u32 s7, $0x1;
	s4 =	sadd.s32 s5, s19  }
0x9d: {  	s8 =	simm.s32 $0x0;
	s20 =	sshll.u32 s6, $0x1;
	s6 =	sadd.s32 s21, s4  }
0x9e: {  	[timem:s8], [sflag:s22] =	dma.local [hbm:s6], s20  }
0x9f: {  	_ =	swait.ge [sflag:s22], s20  }
0xa0: {  	s5 =	ssub.s32 $0x0, s20;
	[sflag:s22] =	ssyncset.done $0x0  }
0xa1: {  	[sflag:s22] =	ssyncadd.s32 s5;
	_ =	sdelay $0x1  }
0xa2: {  	s23 =	simm.s32 $0x1B8B  }
0xa3: {  	_ =	swait.ge [sflag:s23], $0x1  }
0xa4: {  	[sflag:s23] =	ssyncset.done $0x0  }
0xa5: {  	s25 =	simm.s32 $0x1B8E;
	s24 =	sld [smem:$0x3FFE];
	[sflag:s23] =	ssyncadd.s32 $0xFFFFFFFF  }
0xa6: {  	s26 =	simm.s32 $execute0_lowered;
	[smem:$0x3FD2] =	sst s25  }
0xa7: {  	s6 =	sshll.u32 s26, $0x1;
	_ =	strace $0x80000046;
	[dreg:$0x1] =	wrdreg $0xFFFFFFFF  }
0xa8: {  	s28 =	simm.s32 $_size_execute0_lowered;
	s4 =	sadd.s32 s4, s6;
	[dreg:$0x0] =	wrdreg $0x0  }
0xa9: {  	s6 =	sshll.u32 s28, $0x1;
	[dreg:$0x2] =	wrdreg s4  }
0xaa: {  	[dreg:$0x3] =	wrdreg s6  }
0xab: {  	[dreg:$0x4] =	wrdreg $0xC0  }
0xac: {  	_ =	task [dreg:s8], $0x5FFFF  }
0xad: {  	[dreg:$0x1] =	wrdreg $0xFFFFFFFF  }
0xae: {  	[dreg:$0x0] =	wrdreg $0x60  }
0xaf: {  	[dreg:$0x2] =	wrdreg s24  }
0xb0: {  	[dreg:$0x3] =	wrdreg s18  }
0xb1: {  	[dreg:$0x4] =	wrdreg s2  }
0xb2: {  	[dreg:$0x5] =	wrdreg $0x0  }
0xb3: {  	[dreg:$0x6] =	wrdreg $0x9  }
0xb4: {  	_ =	task.clear_ibuf [dreg:s8], $0x7FFFF;
	_ =	strace $0x90000046  }
0xb5: {  	s29 =	simm.s32 $0x9;
	_ =	strace $0x80000048  }
0xb6: {  	_ =	swait.ge [sflag:s29], $0x1  }
0xb7: {  	[sflag:s29] =	ssyncadd.s32 $0xFFFFFFFF  }
0xb8: {  	_ =	strace $0x90000048  }
0xb9: {  	_ =	sfence  }
0xba: {  	s30 =	sld [smem:$0x0];
	_ =	sdelay $0x2  }
0xbb: {  	s31 =	sshll.u32 s1, $0xD;
	s1 =	sshrl.u32 s1, $0x2  }
0xbc: {  	s3 =	sand.u32 $0x4000, s31;
	s1 =	sadd.s32 s1, s30  }
0xbd: {  	s0 =	sor.u32 s3, s0;
	s1 =	sshll.u32 s1, $0x11  }
0xbe: {  	s0 =	sor.u32 s1, s0  }
0xbf: {  	s0 =	sadd.s32 $0x8F2B, s0  }
0xc0: {  	[sflag:s0] =	ssyncadd.remote.s32 $0x1  }
0xc1: {  	_ =	sfence.sel $0xFFFF  }
0xc2: {  	[dreg:$0x0] =	wrdreg $0xFFFFFFFF;
	(pc) =	sbr.abs _section_cstart, $3  }
0xc3: {  	[dreg:$0x1] =	wrdreg $0xFFFFFFFF  }
0xc4: {  	_ =	task.clear_ibuf [dreg:s8], $0x2FFFF;
	_ =	strace $0x9FFFFFFF  }
0xc5: {  	(tm) =	ssettm $0x7FFFFFFF  }
tec
execute0_lowered:
.L_overlay_start_1:
0x0: {  	(tag) =	ssettag $0x1  }
0x1: {  	s8 =	rddreg [dreg:$0x0]  }
0x2: {  	s0 =	rddreg [dreg:$0x1]  }
0x3: {  	s3 =	rddreg [dreg:$0x2]  }
0x4: {  	s1 =	srdreg.scid;
	s4 =	rddreg [dreg:$0x3]  }
0x5: {  	s2 =	stileid.u32;
	s5 =	simm.s32 $0x0;
	s16 =	simm.s32 $0x19100  }
0x6: {  	s17 =	simm.s32 $0x2;
	s18 =	simm.s32 $0x19080;
	s19 =	simm.s32 $0x14000  }
0x7: {  	s20 =	simm.s32 $0x14080;
	s21 =	simm.s32 $0x50;
	s22 =	simm.s32 $0x16880  }
0x8: {  	s9 =	sand.u32 $0x1, s1;
	s1 =	rddreg [dreg:$0x4];
	s7 =	smul.u32 $0x14000, s2  }
0x9: {  	s23 =	simm.s32 $0x1;
	[smem:$0x7FF] =	sst s5;
	s11 =	smul.u32 $0x50000, s2  }
0xa: {  	s6 =	smul.u32 $0x140000, s9;
	_ =	strace $0x80000047;
	s30 =	ssub.s32 $0x2, s9  }
0xb: {  	s9 =	sshll.u32 s9, $0x4;
	s31 =	sshrl.u32 s30, $0x1;
	s11 =	sshrl.u32 s11, $0x2  }
0xc: {  	s13 =	sor.u32 s2, s9;
	s7 =	sadd.s32 s7, s6;
	s6 =	sadd.s32 $0xDA00, s8  }
0xd: {  	s15 =	ssub.s32 s30, s31;
	s13 =	smul.u32 $0x2710, s13;
	s10 =	sshrl.u32 s7, $0x3  }
0xe: {  	s7 =	sadd.s32 $0x3C00, s8;
	s14 =	sadd.s32 s10, s8;
	s8 =	sadd.s32 s11, s4  }
0xf: {  	s15 =	smax.u32 s15, $0x1;
	s9 =	sadd.s32 $0x4000, s8;
	s10 =	sadd.s32 $0x8000, s8  }
0x10: {  	v0 =	vimm.f32 $0.0e+00;
	s11 =	sadd.s32 $0xC000, s8;
	s12 =	sadd.s32 $0x10000, s8;
	s14 =	sadd.s32 $0x34C00, s14  }
.LBB2_1:
0x11: {  	s24 =	simm.s32 $0x0;
	s25 =	simm.s32 $0x200  }
.LBB2_2:
0x12: {  	p0 =	sne.s32 s25, $0xFE00;
	[tilespmem:s24+$0x19170] =	vst v0  }
0x13: {  	[tilespmem:s24+$0x19100] =	vst v0  }
0x14: {  	[tilespmem:s24+$0x19110] =	vst v0  }
.Ltmp0:
0x15: {  	[tilespmem:s24+$0x19120] =	vst v0;
	(pc) =	sbr.rel @p0 .LBB2_2-.Ltmp0, $4  }
0x16: {  	[tilespmem:s24+$0x19130] =	vst v0  }
0x17: {  	[tilespmem:s24+$0x19140] =	vst v0  }
0x18: {  	[tilespmem:s24+$0x19150] =	vst v0  }
0x19: {  	[tilespmem:s24+$0x19160] =	vst v0;
	s24 =	sshra.s32 s25, $0x2;
	s25 =	sadd.s32 $0x200, s25  }
0x1a: {  	[tilespmem:s24+$0x19170] =	vst v0  }
0x1b: {  	[tilespmem:s24+$0x19100] =	vst v0  }
0x1c: {  	[tilespmem:s24+$0x19110] =	vst v0  }
0x1d: {  	[tilespmem:s24+$0x19120] =	vst v0  }
0x1e: {  	[tilespmem:s24+$0x19130] =	vst v0  }
0x1f: {  	[tilespmem:s24+$0x19140] =	vst v0  }
0x20: {  	[tilespmem:s24+$0x19150] =	vst v0  }
0x21: {  	[tilespmem:s24+$0x19160] =	vst v0  }
0x22: {  	[spmem:s8] =	stream.linear.scatter [tilespmem:s16], [sflag:$0x2], $0x4000, $0x38;
	[tilespmem:$0x1D100] =	vst v63  }
0x23: {  	_ =	swait.ge [sflag:s17], $0x4000  }
0x24: {  	[sflag:s17] =	ssyncset.done $0x0  }
0x25: {  	[sflag:s17] =	ssyncadd.s32 $0xFFFFC000  }
0x26: {  	[spmem:s9] =	stream.linear.scatter [tilespmem:s16], [sflag:$0x2], $0x4000, $0x38;
	[tilespmem:$0x1D100] =	vst v63  }
0x27: {  	_ =	swait.ge [sflag:s17], $0x4000  }
0x28: {  	[sflag:s17] =	ssyncset.done $0x0  }
0x29: {  	[sflag:s17] =	ssyncadd.s32 $0xFFFFC000  }
0x2a: {  	[spmem:s10] =	stream.linear.scatter [tilespmem:s16], [sflag:$0x2], $0x4000, $0x38;
	[tilespmem:$0x1D100] =	vst v63  }
0x2b: {  	_ =	swait.ge [sflag:s17], $0x4000  }
0x2c: {  	[sflag:s17] =	ssyncset.done $0x0  }
0x2d: {  	[sflag:s17] =	ssyncadd.s32 $0xFFFFC000  }
0x2e: {  	[spmem:s11] =	stream.linear.scatter [tilespmem:s16], [sflag:$0x2], $0x4000, $0x38;
	[tilespmem:$0x1D100] =	vst v63  }
0x2f: {  	_ =	swait.ge [sflag:s17], $0x4000  }
0x30: {  	[sflag:s17] =	ssyncset.done $0x0  }
0x31: {  	[sflag:s17] =	ssyncadd.s32 $0xFFFFC000  }
0x32: {  	[spmem:s12] =	stream.linear.scatter [tilespmem:s16], [sflag:$0x2], $0x4000, $0x38;
	[tilespmem:$0x1D100] =	vst v63  }
0x33: {  	_ =	swait.ge [sflag:s17], $0x4000  }
0x34: {  	[sflag:s17] =	ssyncset.done $0x0  }
0x35: {  	[sflag:s17] =	ssyncadd.s32 $0xFFFFC000  }
0x36: {  	s24 =	simm.s32 $0x0;
	s25 =	simm.s32 $0x0;
	[bflag:$0x0] =	sbarrier.arrive $0xFFFF  }
.LBB2_4:
0x37: {  	s26 =	smul.u32 $0x50, s25;
	_ =	sdelay $0x1  }
0x38: {  	s26 =	sadd.s32 s13, s26  }
0x39: {  	s28 =	sshrl.u32 s26, $0x3  }
0x3a: {  	s29 =	sadd.s32 s7, s28  }
0x3b: {  	[tilespmem:s18], [sflag:$0x2] =	stream.linear.gather [hbm4b:s29+s24], $0x50, $0x38;
	[tilespmem:$0x1D100] =	vst v63  }
0x3c: {  	_ =	swait.ge [sflag:s17], $0x50  }
0x3d: {  	[sflag:s17] =	ssyncset.done $0x0  }
0x3e: {  	s28 =	sadd.s32 s0, s28;
	[sflag:s17] =	ssyncadd.s32 $0xFFFFFFB0  }
0x3f: {  	[tilespmem:s19], [sflag:$0x2] =	stream.linear.gather [hbm4b:s28+s24], $0x50, $0x38;
	[tilespmem:$0x1D100] =	vst v63  }
0x40: {  	_ =	swait.ge [sflag:s17], $0x50  }
0x41: {  	s26 =	sshll.u32 s26, $0x4;
	[sflag:s17] =	ssyncset.done $0x0  }
0x42: {  	s26 =	sadd.s32 s3, s26;
	[sflag:s17] =	ssyncadd.s32 $0xFFFFFFB0  }
0x43: {  	[tilespmem:s20], [sflag:$0x2] =	stream.linear.gather [hbm4b:s26+s24], $0x2800, $0x38;
	[tilespmem:$0x1D100] =	vst v63  }
0x44: {  	_ =	swait.ge [sflag:s17], $0x2800  }
0x45: {  	[sflag:s17] =	ssyncset.done $0x0  }
0x46: {  	[sflag:s17] =	ssyncadd.s32 $0xFFFFD800  }
0x47: {  	[tilespmem:s22], [sflag:$0x1] =	stream.indirect.gather [hbm4b:s6+s21], $0x80, s18, s21, $0xb8;
	[tilespmem:$0x1D100] =	vst v63  }
0x48: {  	_ =	swait.ge [sflag:s23], $0x2800  }
0x49: {  	[sflag:s23] =	ssyncset.done $0x0  }
0x4a: {  	s26 =	simm.s32 $0x0;
	[sflag:s23] =	ssyncadd.s32 $0xFFFFD800  }
0x4b: {  	v7 =	vld [tilespmem:s26+$0x16880]  }
0x4c: {  	v12 =	vld [tilespmem:s26+$0x16890]  }
0x4d: {  	v6 =	vld [tilespmem:s26+$0x168A0]  }
0x4e: {  	v5 =	vld [tilespmem:s26+$0x168B0]  }
0x4f: {  	v4 =	vld [tilespmem:s26+$0x168C0]  }
0x50: {  	v3 =	vld [tilespmem:s26+$0x168D0]  }
0x51: {  	v2 =	vld [tilespmem:s26+$0x168E0]  }
0x52: {  	v1 =	vld [tilespmem:s26+$0x168F0]  }
0x53: {  	v13 =	vld [tilespmem:s26+$0x14080]  }
0x54: {  	v14 =	vld [tilespmem:s26+$0x14090]  }
0x55: {  	v11 =	vld [tilespmem:s26+$0x140A0]  }
0x56: {  	v10 =	vld [tilespmem:s26+$0x140B0]  }
0x57: {  	v9 =	vld [tilespmem:s26+$0x140C0]  }
0x58: {  	v8 =	vld [tilespmem:s26+$0x140D0];
	v13 =	vadd.f32 v13, v7  }
0x59: {  	s28 =	simm.s32 $0x200;
	v12 =	vadd.f32 v14, v12;
	v7 =	vld [tilespmem:s26+$0x140E0]  }
.LBB2_5:
0x5a: {  	s29 =	sshra.s32 s28, $0x2;
	p0 =	sne.s32 s28, $0x9E00;
	v13 =	vmax.f32 v13, $0.0e+00;
	v6 =	vadd.f32 v11, v6;
	v11 =	vld [tilespmem:s26+$0x140F0]  }
0x5b: {  	v14 =	vld [tilespmem:s29+$0x16880];
	[tilespmem:s26+$0x14080] =	vst v13;
	v12 =	vmax.f32 v12, $0.0e+00;
	v5 =	vadd.f32 v10, v5  }
0x5c: {  	v15 =	vld [tilespmem:s29+$0x16890];
	[tilespmem:s26+$0x14090] =	vst v12;
	v10 =	vmax.f32 v6, $0.0e+00;
	v4 =	vadd.f32 v9, v4  }
0x5d: {  	v6 =	vld [tilespmem:s29+$0x168A0];
	[tilespmem:s26+$0x140A0] =	vst v10;
	v9 =	vmax.f32 v5, $0.0e+00;
	v3 =	vadd.f32 v8, v3  }
0x5e: {  	v5 =	vld [tilespmem:s29+$0x168B0];
	[tilespmem:s26+$0x140B0] =	vst v9;
	v8 =	vmax.f32 v4, $0.0e+00;
	v2 =	vadd.f32 v7, v2  }
0x5f: {  	v4 =	vld [tilespmem:s29+$0x168C0];
	[tilespmem:s26+$0x140C0] =	vst v8;
	v7 =	vmax.f32 v3, $0.0e+00;
	v1 =	vadd.f32 v11, v1  }
0x60: {  	v3 =	vld [tilespmem:s29+$0x168D0];
	[tilespmem:s26+$0x140D0] =	vst v7;
	v7 =	vmax.f32 v2, $0.0e+00  }
0x61: {  	v2 =	vld [tilespmem:s29+$0x168E0];
	[tilespmem:s26+$0x140E0] =	vst v7;
	v7 =	vmax.f32 v1, $0.0e+00  }
0x62: {  	v1 =	vld [tilespmem:s29+$0x168F0];
	[tilespmem:s26+$0x140F0] =	vst v7;
	s26 =	smov.u32 s29  }
0x63: {  	v7 =	vld [tilespmem:s26+$0x14080]  }
0x64: {  	v12 =	vld [tilespmem:s26+$0x14090]  }
.Ltmp1:
0x65: {  	v11 =	vld [tilespmem:s26+$0x140A0];
	(pc) =	sbr.rel @p0 .LBB2_5-.Ltmp1, $4  }
0x66: {  	v10 =	vld [tilespmem:s26+$0x140B0]  }
0x67: {  	v9 =	vld [tilespmem:s26+$0x140C0]  }
0x68: {  	v13 =	vadd.f32 v7, v14;
	v8 =	vld [tilespmem:s26+$0x140D0]  }
0x69: {  	s28 =	sadd.s32 $0x200, s28;
	v12 =	vadd.f32 v12, v15;
	v7 =	vld [tilespmem:s26+$0x140E0]  }
0x6a: {  	v13 =	vmax.f32 v13, $0.0e+00;
	v6 =	vadd.f32 v11, v6;
	v63 =	vld [tilespmem:s26+$0x140F0]  }
0x6b: {  	[tilespmem:s26+$0x14080] =	vst v13;
	v12 =	vmax.f32 v12, $0.0e+00;
	v5 =	vadd.f32 v10, v5  }
0x6c: {  	[tilespmem:s26+$0x14090] =	vst v12;
	v6 =	vmax.f32 v6, $0.0e+00;
	v4 =	vadd.f32 v9, v4  }
0x6d: {  	[tilespmem:s26+$0x140A0] =	vst v6;
	v5 =	vmax.f32 v5, $0.0e+00;
	v3 =	vadd.f32 v8, v3  }
0x6e: {  	[tilespmem:s26+$0x140B0] =	vst v5;
	v4 =	vmax.f32 v4, $0.0e+00;
	v2 =	vadd.f32 v7, v2  }
0x6f: {  	[tilespmem:s26+$0x140C0] =	vst v4;
	v3 =	vmax.f32 v3, $0.0e+00;
	v1 =	vadd.f32 v63, v1  }
0x70: {  	s25 =	sadd.s32 $0x1, s25;
	[tilespmem:s26+$0x140D0] =	vst v3;
	v2 =	vmax.f32 v2, $0.0e+00  }
0x71: {  	p0 =	sne.s32 s25, $0x7D;
	[tilespmem:s26+$0x140E0] =	vst v2;
	v1 =	vmax.f32 v1, $0.0e+00  }
.Ltmp2:
0x72: {  	[tilespmem:s26+$0x140F0] =	vst v1;
	(pc) =	sbr.rel @p0 .LBB2_4-.Ltmp2, $4  }
0x73: {  	[spmem:s4] =	stream.indirect.scatter.add.f32 [tilespmem:s20], [sflag:$0x2], $0x80, s19, s21, $0xb8;
	[tilespmem:$0x1D100] =	vst v63  }
0x74: {  	_ =	swait.ge [sflag:s17], $0x2800  }
0x75: {  	[sflag:s17] =	ssyncset.done $0x0  }
0x76: {  	[sflag:s17] =	ssyncadd.s32 $0xFFFFD800  }
0x77: {  	s5 =	sadd.s32 $0x1, s5  }
0x78: {  	s24 =	sshll.u32 s2, $0x6;
	[bflag:$0x0] =	sbarrier.arrive $0xFFFF;
	p0 =	sne.s32 s5, s15  }
.Ltmp3:
0x79: {  	s25 =	sshrl.u32 s8, $0x3;
	s24 =	sor.u32 $0x1C02, s24;
	(pc) =	sbr.rel @p0 .LBB2_1-.Ltmp3, $4  }
0x7a: {  	[hbm:s14], [sflag:s24] =	dma.local [spmem:s25], $0x2800  }
0x7b: {  	_ =	swait.ge [sflag:s17], $0x2800  }
0x7c: {  	[sflag:s17] =	ssyncset.done $0x0  }
0x7d: {  	[sflag:s17] =	ssyncadd.s32 $0xFFFFD800  }
0x7e: {  	_ =	sfence.sel $0x180000  }
0x7f: {  	[bflag:$0x0] =	sbarrier.arrive $0xFFFF  }
0x80: {  	p0 =	sne.s32 s2, $0x0;
	_ =	strace $0x90000047  }
0x81: {  	s0 =	sadd.s32 @!p0 $0x100000, s1;
	[bflag:$0x2] =	sbarrier.arrive $0xFFFF  }
0x82: {  	[sflag:s0] =	ssyncadd.tile.s32 @!p0 $0x1;
	_ =	shalt  }
.Lfunc_end2:
_tile_overlayer_lowered:
.L_overlay_start_2:
0x83: {  	(tag) =	ssettag $0x2  }
0x84: {  	s0 =	rddreg [dreg:$0x0];
	s2 =	stileid.u32  }
0x85: {  	s1 =	rddreg [dreg:$0x1];
	p0 =	sne.s32 s2, $0x0  }
0x86: {  	s3 =	rddreg [dreg:$0x2];
	[bflag:$0x3] =	sbarrier.arrive $0xFFFF;
	s2 =	simm.s32 @!p0 $0x1C02  }
0x87: {  	[timem:s3], [sflag:s2] =	dma.local @!p0 [hbm:s0], s1  }
0x88: {  	s0 =	simm.s32 @!p0 $0x2  }
0x89: {  	_ =	swait.ge @!p0 [sflag:s0], s1  }
0x8a: {  	s1 =	ssub.s32 @!p0 $0x0, s1;
	[sflag:s0] =	ssyncset.done @!p0 $0x0  }
0x8b: {  	[sflag:s0] =	ssyncadd.s32 @!p0 s1  }
0x8c: {  	[bflag:$0x3] =	sbarrier.arrive $0xFFFF  }
0x8d: {  	_ =	shalt  }

// kernel: kernel.13.cloned.1.call-start
scs
__scs_entry_jumppad:
0x0: {  	(pc) =	sbr.rel $0x88, $3  }
0x1: {  	(tag) =	ssettag $0x0;
	lr =	simm.s32 $0x1  }
0x2: {  	[smem:$0x3F96] =	sst lr;
	_ =	strace $0xD0000000  }
0x3: {  	_ = 	snop  }
0x4: {  	_ = 	snop  }
0x5: {  	_ = 	snop  }
0x6: {  	_ = 	snop  }
0x7: {  	_ = 	snop  }
__scs_overlays_trampoline_lowered:
0x8: {  	[smem:$0x3FA5] =	sst s0  }
0x9: {  	[smem:$0x3FA6] =	sst s1  }
0xa: {  	[smem:$0x3FA7] =	sst s2  }
0xb: {  	[smem:$0x3FA8] =	sst s3  }
0xc: {  	[smem:$0x3FA9] =	sst s4  }
0xd: {  	[smem:$0x3FAA] =	sst s5  }
0xe: {  	[smem:$0x3FAB] =	sst s6  }
0xf: {  	[smem:$0x3FAC] =	sst s7  }
0x10: {  	[smem:$0x3FAD] =	sst s8  }
0x11: {  	[smem:$0x3FAE] =	sst s9;
	s0 =	simm.s32 @!p0 $0x0  }
0x12: {  	s1 =	sld [smem:$0x3F94];
	s0 =	simm.s32 @p0 $0x1  }
0x13: {  	[smem:$0x3FAF] =	sst s0;
	s0 =	simm.s32 @!p1 $0x0  }
0x14: {  	s2 =	sld [smem:$0x3F93];
	s0 =	simm.s32 @p1 $0x1  }
0x15: {  	[smem:$0x3FB0] =	sst s0;
	s0 =	simm.s32 @!p2 $0x0  }
0x16: {  	s3 =	sld [smem:$0x3FDB];
	s0 =	simm.s32 @p2 $0x1  }
0x17: {  	s4 =	simm.s32 $0x1BF5;
	[smem:$0x3FB2] =	sst s0  }
0x18: {  	s0 =	sld [smem:$0x3F95];
	_ =	swait.ge [sflag:s4], $0x0  }
0x19: {  	s7 =	sld [smem:$0x3F96]  }
0x1a: {  	s8 =	sadd.s32 $0xFFFFE003, lr  }
0x1b: {  	s9 =	sadd.s32 $0xFFFFFEF7, lr;
	s5 =	simm.s32 $0xFFFFFFFF;
	p2 =	slt.u32 s8, $0xFFFFF086  }
0x1c: {  	p1 =	slt.u32 s9, $0xF7A;
	s5 =	simm.s32 @!p2 $0x0  }
0x1d: {  	s5 =	simm.s32 @p1 $0x1;
	p0 =	seq.s32 s7, s2  }
0x1e: {  	s7 =	smul.u32 @!p0 $0xF7A, s2;
	p2 =	seq.s32 @!p0 s5, $0x0  }
0x1f: {  	s9 =	smul.u32 $0xF7A, s1;
	s8 =	simm.s32 @!p0 $0x1BF5;
	p2 =	por !p2, p0  }
0x20: {  	[sflag:s8] =	ssyncset.s32 @!p0 $0xFFFFF086;
	s6 =	sadd.s32 @!p0 s3, s7;
	s7 =	simm.s32 @!p0 $0x108  }
0x21: {  	s3 =	sadd.s32 s3, s9;
	s6 =	sadd.s32 @!p0 $0x88, s6;
	s7 =	simm.s32 @p2 $0x1082  }
0x22: {  	[simem:s7], [sflag:s8] =	dma.local @!p0 [hbm:s6], $0xF7A  }
0x23: {  	s9 =	sor.u32 $0xD0000000, s2;
	s6 =	simm.s32 $0x108;
	_ =	swait.ge @!p0 [sflag:s8], $0x0  }
0x24: {  	s3 =	sadd.s32 $0x88, s3;
	s6 =	simm.s32 @!p1 $0x1082;
	[sflag:s4] =	ssyncset.s32 $0xFFFFF086  }
0x25: {  	[simem:s6], [sflag:s4] =	dma.local [hbm:s3], $0xF7A  }
0x26: {  	[smem:$0x3F96] =	sst s1;
	(tag) =	ssettag s2;
	_ =	strace s9  }
0x27: {  	s1 =	sld [smem:$0x3FA6]  }
0x28: {  	s2 =	sld [smem:$0x3FA7]  }
0x29: {  	s4 =	sld [smem:$0x3FA9]  }
0x2a: {  	p0 =	seq.s32 s5, $0x0;
	s5 =	sld [smem:$0x3FAA]  }
0x2b: {  	s6 =	sld [smem:$0x3FAB]  }
0x2c: {  	s7 =	sld [smem:$0x3FAC]  }
0x2d: {  	s3 =	simm.s32 $0x108;
	s8 =	sld [smem:$0x3FAD]  }
0x2e: {  	s3 =	simm.s32 @!p0 $0x1082;
	s9 =	sld [smem:$0x3FAE]  }
0x2f: {  	lr =	sadd.s32 s0, s3;
	s0 =	sld [smem:$0x3FA5]  }
0x30: {  	s3 =	sld [smem:$0x3FA8]  }
0x31: {  	[smem:$0x3FB1] =	sst s10  }
0x32: {  	s10 =	sld [smem:$0x3FAF];
	_ =	sdelay $0x3  }
0x33: {  	p0 =	seq.s32 s10, $0x1;
	s10 =	sld [smem:$0x3FB1];
	_ =	sdelay $0x3  }
0x34: {  	[smem:$0x3FB1] =	sst s10  }
0x35: {  	s10 =	sld [smem:$0x3FB0];
	_ =	sdelay $0x3  }
0x36: {  	p1 =	seq.s32 s10, $0x1;
	s10 =	sld [smem:$0x3FB1];
	_ =	sdelay $0x3  }
0x37: {  	[smem:$0x3FB1] =	sst s10  }
0x38: {  	s10 =	sld [smem:$0x3FB2]  }
0x39: {  	_ = 	snop;
	(pc) =	sbr.ind lr, $3  }
0x3a: {  	_ = 	snop  }
0x3b: {  	_ = 	snop  }
0x3c: {  	p2 =	seq.s32 s10, $0x1;
	s10 =	sld [smem:$0x3FB1]  }
0x3d: {  	_ =	shalt  }
0x3e: {  	_ =	shalt  }
0x3f: {  	_ =	shalt  }
0x40: {  	_ =	shalt  }
0x41: {  	_ =	shalt  }
0x42: {  	_ =	shalt  }
0x43: {  	_ =	shalt  }
0x44: {  	_ =	shalt  }
0x45: {  	_ =	shalt  }
0x46: {  	_ =	shalt  }
0x47: {  	_ =	shalt  }
0x48: {  	_ =	shalt  }
0x49: {  	_ =	shalt  }
0x4a: {  	_ =	shalt  }
0x4b: {  	_ =	shalt  }
0x4c: {  	_ =	shalt  }
0x4d: {  	_ =	shalt  }
0x4e: {  	_ =	shalt  }
0x4f: {  	_ =	shalt  }
0x50: {  	_ =	shalt  }
0x51: {  	_ =	shalt  }
0x52: {  	_ =	shalt  }
0x53: {  	_ =	shalt  }
0x54: {  	_ =	shalt  }
0x55: {  	_ =	shalt  }
0x56: {  	_ =	shalt  }
0x57: {  	_ =	shalt  }
0x58: {  	_ =	shalt  }
0x59: {  	_ =	shalt  }
0x5a: {  	_ =	shalt  }
0x5b: {  	_ =	shalt  }
0x5c: {  	_ =	shalt  }
0x5d: {  	_ =	shalt  }
0x5e: {  	_ =	shalt  }
0x5f: {  	_ =	shalt  }
0x60: {  	_ =	shalt  }
0x61: {  	_ =	shalt  }
0x62: {  	_ =	shalt  }
0x63: {  	_ =	shalt  }
0x64: {  	_ =	shalt  }
0x65: {  	_ =	shalt  }
0x66: {  	_ =	shalt  }
0x67: {  	_ =	shalt  }
0x68: {  	_ =	shalt  }
0x69: {  	_ =	shalt  }
0x6a: {  	_ =	shalt  }
0x6b: {  	_ =	shalt  }
0x6c: {  	_ =	shalt  }
0x6d: {  	_ =	shalt  }
0x6e: {  	_ =	shalt  }
0x6f: {  	_ =	shalt  }
0x70: {  	_ =	shalt  }
0x71: {  	_ =	shalt  }
0x72: {  	_ =	shalt  }
0x73: {  	_ =	shalt  }
0x74: {  	_ =	shalt  }
0x75: {  	_ =	shalt  }
0x76: {  	_ =	shalt  }
0x77: {  	_ =	shalt  }
0x78: {  	_ =	shalt  }
0x79: {  	_ =	shalt  }
0x7a: {  	_ =	shalt  }
0x7b: {  	_ =	shalt  }
0x7c: {  	_ =	shalt  }
0x7d: {  	_ =	shalt  }
0x7e: {  	_ =	shalt  }
0x7f: {  	_ =	shalt  }
0x80: {  	_ =	shalt  }
0x81: {  	_ =	shalt  }
0x82: {  	_ =	shalt  }
0x83: {  	_ =	shalt  }
0x84: {  	_ =	shalt  }
0x85: {  	_ =	shalt  }
0x86: {  	_ =	shalt  }
0x87: {  	_ =	shalt  }
.Lfunc_end0:
.L_simem_size_0:
called_computation.1_lowered:
.L_overlay_start_0:
0x88: {  	s2 =	sld [smem:$0x3FD9]  }
0x89: {  	s3 =	sld [smem:$0x3FFE];
	_ =	sdelay $0x1  }
0x8a: {  	s1 =	srdreg.scid  }
0x8b: {  	s0 =	sand.u32 $0x1, s1  }
0x8c: {  	s17 =	sshll.u32 s0, $0xA;
	s2 =	sadd.s32 s3, s2  }
0x8d: {  	s2 =	sadd.s32 s2, s17  }
0x8e: {  	[smem:$0x3FBD] =	sst s2  }
0x8f: {  	_ = 	snop  }
0x90: {  	s2 =	sld [smem:$0x3FC7]  }
0x91: {  	s18 =	sld [smem:$0x3FD0];
	(tm) =	ssettm $0x1  }
0x92: {  	s4 =	sld [smem:$0x3FFB];
	_ =	sdelay $0x3  }
0x93: {  	_ =	strace s4  }
0x94: {  	s4 =	sld [smem:$0x3FFC];
	_ =	sdelay $0x3  }
0x95: {  	_ =	strace s4  }
0x96: {  	s4 =	sld [smem:$0x3FFD];
	_ =	sdelay $0x3  }
0x97: {  	_ =	strace s4  }
0x98: {  	_ =	strace $0x8FFFFFFF  }
0x99: {  	s19 =	sld [smem:$0x3FDB];
	_ =	sdelay $0x1  }
0x9a: {  	s5 =	simm.s32 $_scs_section_size  }
0x9b: {  	s6 =	simm.s32 $_size__tile_overlayer_lowered;
	s7 =	simm.s32 $_tile_overlayer_lowered  }
0x9c: {  	s22 =	simm.s32 $0x1BFF;
	s21 =	sshll.u32 s7, $0x1;
	s4 =	sadd.s32 s5, s19  }
0x9d: {  	s8 =	simm.s32 $0x0;
	s20 =	sshll.u32 s6, $0x1;
	s6 =	sadd.s32 s21, s4  }
0x9e: {  	[timem:s8], [sflag:s22] =	dma.local [hbm:s6], s20  }
0x9f: {  	_ =	swait.ge [sflag:s22], s20  }
0xa0: {  	s5 =	ssub.s32 $0x0, s20;
	[sflag:s22] =	ssyncset.done $0x0  }
0xa1: {  	[sflag:s22] =	ssyncadd.s32 s5;
	_ =	sdelay $0x1  }
0xa2: {  	s23 =	simm.s32 $0x1B8B  }
0xa3: {  	_ =	swait.ge [sflag:s23], $0x1  }
0xa4: {  	[sflag:s23] =	ssyncset.done $0x0  }
0xa5: {  	s25 =	simm.s32 $0x1B8E;
	s24 =	sld [smem:$0x3FFE];
	[sflag:s23] =	ssyncadd.s32 $0xFFFFFFFF  }
0xa6: {  	s26 =	simm.s32 $execute0_lowered;
	[smem:$0x3FD2] =	sst s25  }
0xa7: {  	s6 =	sshll.u32 s26, $0x1;
	_ =	strace $0x80000049;
	[dreg:$0x1] =	wrdreg $0xFFFFFFFF  }
0xa8: {  	s28 =	simm.s32 $_size_execute0_lowered;
	s4 =	sadd.s32 s4, s6;
	[dreg:$0x0] =	wrdreg $0x0  }
0xa9: {  	s6 =	sshll.u32 s28, $0x1;
	[dreg:$0x2] =	wrdreg s4  }
0xaa: {  	[dreg:$0x3] =	wrdreg s6  }
0xab: {  	[dreg:$0x4] =	wrdreg $0xC0  }
0xac: {  	_ =	task [dreg:s8], $0x5FFFF  }
0xad: {  	[dreg:$0x1] =	wrdreg $0xFFFFFFFF  }
0xae: {  	[dreg:$0x0] =	wrdreg $0x60  }
0xaf: {  	[dreg:$0x2] =	wrdreg s24  }
0xb0: {  	[dreg:$0x3] =	wrdreg s18  }
0xb1: {  	[dreg:$0x4] =	wrdreg s2  }
0xb2: {  	[dreg:$0x5] =	wrdreg $0x0  }
0xb3: {  	[dreg:$0x6] =	wrdreg $0x9  }
0xb4: {  	_ =	task.clear_ibuf [dreg:s8], $0x7FFFF;
	_ =	strace $0x90000049  }
0xb5: {  	s29 =	simm.s32 $0x9;
	_ =	strace $0x8000004B  }
0xb6: {  	_ =	swait.ge [sflag:s29], $0x1  }
0xb7: {  	[sflag:s29] =	ssyncadd.s32 $0xFFFFFFFF  }
0xb8: {  	_ =	strace $0x9000004B  }
0xb9: {  	_ =	sfence  }
0xba: {  	s30 =	sld [smem:$0x0];
	_ =	sdelay $0x2  }
0xbb: {  	s31 =	sshll.u32 s1, $0xD;
	s1 =	sshrl.u32 s1, $0x2  }
0xbc: {  	s3 =	sand.u32 $0x4000, s31;
	s1 =	sadd.s32 s1, s30  }
0xbd: {  	s0 =	sor.u32 s3, s0;
	s1 =	sshll.u32 s1, $0x11  }
0xbe: {  	s0 =	sor.u32 s1, s0  }
0xbf: {  	s0 =	sadd.s32 $0x8F2B, s0  }
0xc0: {  	[sflag:s0] =	ssyncadd.remote.s32 $0x1  }
0xc1: {  	_ =	sfence.sel $0xFFFF  }
0xc2: {  	[dreg:$0x0] =	wrdreg $0xFFFFFFFF;
	(pc) =	sbr.abs _section_cstart, $3  }
0xc3: {  	[dreg:$0x1] =	wrdreg $0xFFFFFFFF  }
0xc4: {  	_ =	task.clear_ibuf [dreg:s8], $0x2FFFF;
	_ =	strace $0x9FFFFFFF  }
0xc5: {  	(tm) =	ssettm $0x7FFFFFFF  }
tec
execute0_lowered:
.L_overlay_start_1:
0x0: {  	(tag) =	ssettag $0x1  }
0x1: {  	s8 =	rddreg [dreg:$0x0]  }
0x2: {  	s0 =	rddreg [dreg:$0x1]  }
0x3: {  	s3 =	rddreg [dreg:$0x2]  }
0x4: {  	s1 =	srdreg.scid;
	s4 =	rddreg [dreg:$0x3]  }
0x5: {  	s2 =	stileid.u32;
	s5 =	simm.s32 $0x0;
	s16 =	simm.s32 $0x19100  }
0x6: {  	s17 =	simm.s32 $0x2;
	s18 =	simm.s32 $0x19080;
	s19 =	simm.s32 $0x14000  }
0x7: {  	s20 =	simm.s32 $0x14080;
	s21 =	simm.s32 $0x50;
	s22 =	simm.s32 $0x16880  }
0x8: {  	s9 =	sand.u32 $0x1, s1;
	s1 =	rddreg [dreg:$0x4];
	s7 =	smul.u32 $0x14000, s2  }
0x9: {  	s23 =	simm.s32 $0x1;
	[smem:$0x7FF] =	sst s5;
	s11 =	smul.u32 $0x50000, s2  }
0xa: {  	s6 =	smul.u32 $0x140000, s9;
	_ =	strace $0x8000004A;
	s30 =	ssub.s32 $0x2, s9  }
0xb: {  	s9 =	sshll.u32 s9, $0x4;
	s31 =	sshrl.u32 s30, $0x1;
	s11 =	sshrl.u32 s11, $0x2  }
0xc: {  	s13 =	sor.u32 s2, s9;
	s7 =	sadd.s32 s7, s6;
	s6 =	sadd.s32 $0xDA00, s8  }
0xd: {  	s15 =	ssub.s32 s30, s31;
	s13 =	smul.u32 $0x2710, s13;
	s10 =	sshrl.u32 s7, $0x3  }
0xe: {  	s7 =	sadd.s32 $0x3C00, s8;
	s14 =	sadd.s32 s10, s8;
	s8 =	sadd.s32 s11, s4  }
0xf: {  	s15 =	smax.u32 s15, $0x1;
	s9 =	sadd.s32 $0x4000, s8;
	s10 =	sadd.s32 $0x8000, s8  }
0x10: {  	v0 =	vimm.f32 $0.0e+00;
	s11 =	sadd.s32 $0xC000, s8;
	s12 =	sadd.s32 $0x10000, s8;
	s14 =	sadd.s32 $0x34C00, s14  }
.LBB2_1:
0x11: {  	s24 =	simm.s32 $0x0;
	s25 =	simm.s32 $0x200  }
.LBB2_2:
0x12: {  	p0 =	sne.s32 s25, $0xFE00;
	[tilespmem:s24+$0x19170] =	vst v0  }
0x13: {  	[tilespmem:s24+$0x19100] =	vst v0  }
0x14: {  	[tilespmem:s24+$0x19110] =	vst v0  }
.Ltmp0:
0x15: {  	[tilespmem:s24+$0x19120] =	vst v0;
	(pc) =	sbr.rel @p0 .LBB2_2-.Ltmp0, $4  }
0x16: {  	[tilespmem:s24+$0x19130] =	vst v0  }
0x17: {  	[tilespmem:s24+$0x19140] =	vst v0  }
0x18: {  	[tilespmem:s24+$0x19150] =	vst v0  }
0x19: {  	[tilespmem:s24+$0x19160] =	vst v0;
	s24 =	sshra.s32 s25, $0x2;
	s25 =	sadd.s32 $0x200, s25  }
0x1a: {  	[tilespmem:s24+$0x19170] =	vst v0  }
0x1b: {  	[tilespmem:s24+$0x19100] =	vst v0  }
0x1c: {  	[tilespmem:s24+$0x19110] =	vst v0  }
0x1d: {  	[tilespmem:s24+$0x19120] =	vst v0  }
0x1e: {  	[tilespmem:s24+$0x19130] =	vst v0  }
0x1f: {  	[tilespmem:s24+$0x19140] =	vst v0  }
0x20: {  	[tilespmem:s24+$0x19150] =	vst v0  }
0x21: {  	[tilespmem:s24+$0x19160] =	vst v0  }
0x22: {  	[spmem:s8] =	stream.linear.scatter [tilespmem:s16], [sflag:$0x2], $0x4000, $0x38;
	[tilespmem:$0x1D100] =	vst v63  }
0x23: {  	_ =	swait.ge [sflag:s17], $0x4000  }
0x24: {  	[sflag:s17] =	ssyncset.done $0x0  }
0x25: {  	[sflag:s17] =	ssyncadd.s32 $0xFFFFC000  }
0x26: {  	[spmem:s9] =	stream.linear.scatter [tilespmem:s16], [sflag:$0x2], $0x4000, $0x38;
	[tilespmem:$0x1D100] =	vst v63  }
0x27: {  	_ =	swait.ge [sflag:s17], $0x4000  }
0x28: {  	[sflag:s17] =	ssyncset.done $0x0  }
0x29: {  	[sflag:s17] =	ssyncadd.s32 $0xFFFFC000  }
0x2a: {  	[spmem:s10] =	stream.linear.scatter [tilespmem:s16], [sflag:$0x2], $0x4000, $0x38;
	[tilespmem:$0x1D100] =	vst v63  }
0x2b: {  	_ =	swait.ge [sflag:s17], $0x4000  }
0x2c: {  	[sflag:s17] =	ssyncset.done $0x0  }
0x2d: {  	[sflag:s17] =	ssyncadd.s32 $0xFFFFC000  }
0x2e: {  	[spmem:s11] =	stream.linear.scatter [tilespmem:s16], [sflag:$0x2], $0x4000, $0x38;
	[tilespmem:$0x1D100] =	vst v63  }
0x2f: {  	_ =	swait.ge [sflag:s17], $0x4000  }
0x30: {  	[sflag:s17] =	ssyncset.done $0x0  }
0x31: {  	[sflag:s17] =	ssyncadd.s32 $0xFFFFC000  }
0x32: {  	[spmem:s12] =	stream.linear.scatter [tilespmem:s16], [sflag:$0x2], $0x4000, $0x38;
	[tilespmem:$0x1D100] =	vst v63  }
0x33: {  	_ =	swait.ge [sflag:s17], $0x4000  }
0x34: {  	[sflag:s17] =	ssyncset.done $0x0  }
0x35: {  	[sflag:s17] =	ssyncadd.s32 $0xFFFFC000  }
0x36: {  	s24 =	simm.s32 $0x0;
	s25 =	simm.s32 $0x0;
	[bflag:$0x0] =	sbarrier.arrive $0xFFFF  }
.LBB2_4:
0x37: {  	s26 =	smul.u32 $0x50, s25;
	_ =	sdelay $0x1  }
0x38: {  	s26 =	sadd.s32 s13, s26  }
0x39: {  	s28 =	sshrl.u32 s26, $0x3  }
0x3a: {  	s29 =	sadd.s32 s7, s28  }
0x3b: {  	[tilespmem:s18], [sflag:$0x2] =	stream.linear.gather [hbm4b:s29+s24], $0x50, $0x38;
	[tilespmem:$0x1D100] =	vst v63  }
0x3c: {  	_ =	swait.ge [sflag:s17], $0x50  }
0x3d: {  	[sflag:s17] =	ssyncset.done $0x0  }
0x3e: {  	s28 =	sadd.s32 s0, s28;
	[sflag:s17] =	ssyncadd.s32 $0xFFFFFFB0  }
0x3f: {  	[tilespmem:s19], [sflag:$0x2] =	stream.linear.gather [hbm4b:s28+s24], $0x50, $0x38;
	[tilespmem:$0x1D100] =	vst v63  }
0x40: {  	_ =	swait.ge [sflag:s17], $0x50  }
0x41: {  	s26 =	sshll.u32 s26, $0x4;
	[sflag:s17] =	ssyncset.done $0x0  }
0x42: {  	s26 =	sadd.s32 s3, s26;
	[sflag:s17] =	ssyncadd.s32 $0xFFFFFFB0  }
0x43: {  	[tilespmem:s20], [sflag:$0x2] =	stream.linear.gather [hbm4b:s26+s24], $0x2800, $0x38;
	[tilespmem:$0x1D100] =	vst v63  }
0x44: {  	_ =	swait.ge [sflag:s17], $0x2800  }
0x45: {  	[sflag:s17] =	ssyncset.done $0x0  }
0x46: {  	[sflag:s17] =	ssyncadd.s32 $0xFFFFD800  }
0x47: {  	[tilespmem:s22], [sflag:$0x1] =	stream.indirect.gather [hbm4b:s6+s21], $0x80, s18, s21, $0xb8;
	[tilespmem:$0x1D100] =	vst v63  }
0x48: {  	_ =	swait.ge [sflag:s23], $0x2800  }
0x49: {  	[sflag:s23] =	ssyncset.done $0x0  }
0x4a: {  	s26 =	simm.s32 $0x0;
	[sflag:s23] =	ssyncadd.s32 $0xFFFFD800  }
0x4b: {  	v7 =	vld [tilespmem:s26+$0x16880]  }
0x4c: {  	v12 =	vld [tilespmem:s26+$0x16890]  }
0x4d: {  	v6 =	vld [tilespmem:s26+$0x168A0]  }
0x4e: {  	v5 =	vld [tilespmem:s26+$0x168B0]  }
0x4f: {  	v4 =	vld [tilespmem:s26+$0x168C0]  }
0x50: {  	v3 =	vld [tilespmem:s26+$0x168D0]  }
0x51: {  	v2 =	vld [tilespmem:s26+$0x168E0]  }
0x52: {  	v1 =	vld [tilespmem:s26+$0x168F0]  }
0x53: {  	v13 =	vld [tilespmem:s26+$0x14080]  }
0x54: {  	v14 =	vld [tilespmem:s26+$0x14090]  }
0x55: {  	v11 =	vld [tilespmem:s26+$0x140A0]  }
0x56: {  	v10 =	vld [tilespmem:s26+$0x140B0]  }
0x57: {  	v9 =	vld [tilespmem:s26+$0x140C0]  }
0x58: {  	v8 =	vld [tilespmem:s26+$0x140D0];
	v13 =	vadd.f32 v13, v7  }
0x59: {  	s28 =	simm.s32 $0x200;
	v12 =	vadd.f32 v14, v12;
	v7 =	vld [tilespmem:s26+$0x140E0]  }
.LBB2_5:
0x5a: {  	s29 =	sshra.s32 s28, $0x2;
	p0 =	sne.s32 s28, $0x9E00;
	v13 =	vmax.f32 v13, $0.0e+00;
	v6 =	vadd.f32 v11, v6;
	v11 =	vld [tilespmem:s26+$0x140F0]  }
0x5b: {  	v14 =	vld [tilespmem:s29+$0x16880];
	[tilespmem:s26+$0x14080] =	vst v13;
	v12 =	vmax.f32 v12, $0.0e+00;
	v5 =	vadd.f32 v10, v5  }
0x5c: {  	v15 =	vld [tilespmem:s29+$0x16890];
	[tilespmem:s26+$0x14090] =	vst v12;
	v10 =	vmax.f32 v6, $0.0e+00;
	v4 =	vadd.f32 v9, v4  }
0x5d: {  	v6 =	vld [tilespmem:s29+$0x168A0];
	[tilespmem:s26+$0x140A0] =	vst v10;
	v9 =	vmax.f32 v5, $0.0e+00;
	v3 =	vadd.f32 v8, v3  }
0x5e: {  	v5 =	vld [tilespmem:s29+$0x168B0];
	[tilespmem:s26+$0x140B0] =	vst v9;
	v8 =	vmax.f32 v4, $0.0e+00;
	v2 =	vadd.f32 v7, v2  }
0x5f: {  	v4 =	vld [tilespmem:s29+$0x168C0];
	[tilespmem:s26+$0x140C0] =	vst v8;
	v7 =	vmax.f32 v3, $0.0e+00;
	v1 =	vadd.f32 v11, v1  }
0x60: {  	v3 =	vld [tilespmem:s29+$0x168D0];
	[tilespmem:s26+$0x140D0] =	vst v7;
	v7 =	vmax.f32 v2, $0.0e+00  }
0x61: {  	v2 =	vld [tilespmem:s29+$0x168E0];
	[tilespmem:s26+$0x140E0] =	vst v7;
	v7 =	vmax.f32 v1, $0.0e+00  }
0x62: {  	v1 =	vld [tilespmem:s29+$0x168F0];
	[tilespmem:s26+$0x140F0] =	vst v7;
	s26 =	smov.u32 s29  }
0x63: {  	v7 =	vld [tilespmem:s26+$0x14080]  }
0x64: {  	v12 =	vld [tilespmem:s26+$0x14090]  }
.Ltmp1:
0x65: {  	v11 =	vld [tilespmem:s26+$0x140A0];
	(pc) =	sbr.rel @p0 .LBB2_5-.Ltmp1, $4  }
0x66: {  	v10 =	vld [tilespmem:s26+$0x140B0]  }
0x67: {  	v9 =	vld [tilespmem:s26+$0x140C0]  }
0x68: {  	v13 =	vadd.f32 v7, v14;
	v8 =	vld [tilespmem:s26+$0x140D0]  }
0x69: {  	s28 =	sadd.s32 $0x200, s28;
	v12 =	vadd.f32 v12, v15;
	v7 =	vld [tilespmem:s26+$0x140E0]  }
0x6a: {  	v13 =	vmax.f32 v13, $0.0e+00;
	v6 =	vadd.f32 v11, v6;
	v63 =	vld [tilespmem:s26+$0x140F0]  }
0x6b: {  	[tilespmem:s26+$0x14080] =	vst v13;
	v12 =	vmax.f32 v12, $0.0e+00;
	v5 =	vadd.f32 v10, v5  }
0x6c: {  	[tilespmem:s26+$0x14090] =	vst v12;
	v6 =	vmax.f32 v6, $0.0e+00;
	v4 =	vadd.f32 v9, v4  }
0x6d: {  	[tilespmem:s26+$0x140A0] =	vst v6;
	v5 =	vmax.f32 v5, $0.0e+00;
	v3 =	vadd.f32 v8, v3  }
0x6e: {  	[tilespmem:s26+$0x140B0] =	vst v5;
	v4 =	vmax.f32 v4, $0.0e+00;
	v2 =	vadd.f32 v7, v2  }
0x6f: {  	[tilespmem:s26+$0x140C0] =	vst v4;
	v3 =	vmax.f32 v3, $0.0e+00;
	v1 =	vadd.f32 v63, v1  }
0x70: {  	s25 =	sadd.s32 $0x1, s25;
	[tilespmem:s26+$0x140D0] =	vst v3;
	v2 =	vmax.f32 v2, $0.0e+00  }
0x71: {  	p0 =	sne.s32 s25, $0x7D;
	[tilespmem:s26+$0x140E0] =	vst v2;
	v1 =	vmax.f32 v1, $0.0e+00  }
.Ltmp2:
0x72: {  	[tilespmem:s26+$0x140F0] =	vst v1;
	(pc) =	sbr.rel @p0 .LBB2_4-.Ltmp2, $4  }
0x73: {  	[spmem:s4] =	stream.indirect.scatter.add.f32 [tilespmem:s20], [sflag:$0x2], $0x80, s19, s21, $0xb8;
	[tilespmem:$0x1D100] =	vst v63  }
0x74: {  	_ =	swait.ge [sflag:s17], $0x2800  }
0x75: {  	[sflag:s17] =	ssyncset.done $0x0  }
0x76: {  	[sflag:s17] =	ssyncadd.s32 $0xFFFFD800  }
0x77: {  	s5 =	sadd.s32 $0x1, s5  }
0x78: {  	s24 =	sshll.u32 s2, $0x6;
	[bflag:$0x0] =	sbarrier.arrive $0xFFFF;
	p0 =	sne.s32 s5, s15  }
.Ltmp3:
0x79: {  	s25 =	sshrl.u32 s8, $0x3;
	s24 =	sor.u32 $0x1C02, s24;
	(pc) =	sbr.rel @p0 .LBB2_1-.Ltmp3, $4  }
0x7a: {  	[hbm:s14], [sflag:s24] =	dma.local [spmem:s25], $0x2800  }
0x7b: {  	_ =	swait.ge [sflag:s17], $0x2800  }
0x7c: {  	[sflag:s17] =	ssyncset.done $0x0  }
0x7d: {  	[sflag:s17] =	ssyncadd.s32 $0xFFFFD800  }
0x7e: {  	_ =	sfence.sel $0x180000  }
0x7f: {  	[bflag:$0x0] =	sbarrier.arrive $0xFFFF  }
0x80: {  	p0 =	sne.s32 s2, $0x0;
	_ =	strace $0x9000004A  }
0x81: {  	s0 =	sadd.s32 @!p0 $0x100000, s1;
	[bflag:$0x2] =	sbarrier.arrive $0xFFFF  }
0x82: {  	[sflag:s0] =	ssyncadd.tile.s32 @!p0 $0x1;
	_ =	shalt  }
.Lfunc_end2:
_tile_overlayer_lowered:
.L_overlay_start_2:
0x83: {  	(tag) =	ssettag $0x2  }
0x84: {  	s0 =	rddreg [dreg:$0x0];
	s2 =	stileid.u32  }
0x85: {  	s1 =	rddreg [dreg:$0x1];
	p0 =	sne.s32 s2, $0x0  }
0x86: {  	s3 =	rddreg [dreg:$0x2];
	[bflag:$0x3] =	sbarrier.arrive $0xFFFF;
	s2 =	simm.s32 @!p0 $0x1C02  }
0x87: {  	[timem:s3], [sflag:s2] =	dma.local @!p0 [hbm:s0], s1  }
0x88: {  	s0 =	simm.s32 @!p0 $0x2  }
0x89: {  	_ =	swait.ge @!p0 [sflag:s0], s1  }
0x8a: {  	s1 =	ssub.s32 @!p0 $0x0, s1;
	[sflag:s0] =	ssyncset.done @!p0 $0x0  }
0x8b: {  	[sflag:s0] =	ssyncadd.s32 @!p0 s1  }
0x8c: {  	[bflag:$0x3] =	sbarrier.arrive $0xFFFF  }
0x8d: {  	_ =	shalt  }

// kernel: kernel.16.cloned.1.call-start
scs
__scs_entry_jumppad:
0x0: {  	(pc) =	sbr.rel $0x88, $3  }
0x1: {  	(tag) =	ssettag $0x0;
	lr =	simm.s32 $0x1  }
0x2: {  	[smem:$0x3F96] =	sst lr;
	_ =	strace $0xD0000000  }
0x3: {  	_ = 	snop  }
0x4: {  	_ = 	snop  }
0x5: {  	_ = 	snop  }
0x6: {  	_ = 	snop  }
0x7: {  	_ = 	snop  }
__scs_overlays_trampoline_lowered:
0x8: {  	[smem:$0x3FA5] =	sst s0  }
0x9: {  	[smem:$0x3FA6] =	sst s1  }
0xa: {  	[smem:$0x3FA7] =	sst s2  }
0xb: {  	[smem:$0x3FA8] =	sst s3  }
0xc: {  	[smem:$0x3FA9] =	sst s4  }
0xd: {  	[smem:$0x3FAA] =	sst s5  }
0xe: {  	[smem:$0x3FAB] =	sst s6  }
0xf: {  	[smem:$0x3FAC] =	sst s7  }
0x10: {  	[smem:$0x3FAD] =	sst s8  }
0x11: {  	[smem:$0x3FAE] =	sst s9;
	s0 =	simm.s32 @!p0 $0x0  }
0x12: {  	s1 =	sld [smem:$0x3F94];
	s0 =	simm.s32 @p0 $0x1  }
0x13: {  	[smem:$0x3FAF] =	sst s0;
	s0 =	simm.s32 @!p1 $0x0  }
0x14: {  	s2 =	sld [smem:$0x3F93];
	s0 =	simm.s32 @p1 $0x1  }
0x15: {  	[smem:$0x3FB0] =	sst s0;
	s0 =	simm.s32 @!p2 $0x0  }
0x16: {  	s3 =	sld [smem:$0x3FDB];
	s0 =	simm.s32 @p2 $0x1  }
0x17: {  	s4 =	simm.s32 $0x1BF5;
	[smem:$0x3FB2] =	sst s0  }
0x18: {  	s0 =	sld [smem:$0x3F95];
	_ =	swait.ge [sflag:s4], $0x0  }
0x19: {  	s7 =	sld [smem:$0x3F96]  }
0x1a: {  	s8 =	sadd.s32 $0xFFFFE003, lr  }
0x1b: {  	s9 =	sadd.s32 $0xFFFFFEF7, lr;
	s5 =	simm.s32 $0xFFFFFFFF;
	p2 =	slt.u32 s8, $0xFFFFF086  }
0x1c: {  	p1 =	slt.u32 s9, $0xF7A;
	s5 =	simm.s32 @!p2 $0x0  }
0x1d: {  	s5 =	simm.s32 @p1 $0x1;
	p0 =	seq.s32 s7, s2  }
0x1e: {  	s7 =	smul.u32 @!p0 $0xF7A, s2;
	p2 =	seq.s32 @!p0 s5, $0x0  }
0x1f: {  	s9 =	smul.u32 $0xF7A, s1;
	s8 =	simm.s32 @!p0 $0x1BF5;
	p2 =	por !p2, p0  }
0x20: {  	[sflag:s8] =	ssyncset.s32 @!p0 $0xFFFFF086;
	s6 =	sadd.s32 @!p0 s3, s7;
	s7 =	simm.s32 @!p0 $0x108  }
0x21: {  	s3 =	sadd.s32 s3, s9;
	s6 =	sadd.s32 @!p0 $0x88, s6;
	s7 =	simm.s32 @p2 $0x1082  }
0x22: {  	[simem:s7], [sflag:s8] =	dma.local @!p0 [hbm:s6], $0xF7A  }
0x23: {  	s9 =	sor.u32 $0xD0000000, s2;
	s6 =	simm.s32 $0x108;
	_ =	swait.ge @!p0 [sflag:s8], $0x0  }
0x24: {  	s3 =	sadd.s32 $0x88, s3;
	s6 =	simm.s32 @!p1 $0x1082;
	[sflag:s4] =	ssyncset.s32 $0xFFFFF086  }
0x25: {  	[simem:s6], [sflag:s4] =	dma.local [hbm:s3], $0xF7A  }
0x26: {  	[smem:$0x3F96] =	sst s1;
	(tag) =	ssettag s2;
	_ =	strace s9  }
0x27: {  	s1 =	sld [smem:$0x3FA6]  }
0x28: {  	s2 =	sld [smem:$0x3FA7]  }
0x29: {  	s4 =	sld [smem:$0x3FA9]  }
0x2a: {  	p0 =	seq.s32 s5, $0x0;
	s5 =	sld [smem:$0x3FAA]  }
0x2b: {  	s6 =	sld [smem:$0x3FAB]  }
0x2c: {  	s7 =	sld [smem:$0x3FAC]  }
0x2d: {  	s3 =	simm.s32 $0x108;
	s8 =	sld [smem:$0x3FAD]  }
0x2e: {  	s3 =	simm.s32 @!p0 $0x1082;
	s9 =	sld [smem:$0x3FAE]  }
0x2f: {  	lr =	sadd.s32 s0, s3;
	s0 =	sld [smem:$0x3FA5]  }
0x30: {  	s3 =	sld [smem:$0x3FA8]  }
0x31: {  	[smem:$0x3FB1] =	sst s10  }
0x32: {  	s10 =	sld [smem:$0x3FAF];
	_ =	sdelay $0x3  }
0x33: {  	p0 =	seq.s32 s10, $0x1;
	s10 =	sld [smem:$0x3FB1];
	_ =	sdelay $0x3  }
0x34: {  	[smem:$0x3FB1] =	sst s10  }
0x35: {  	s10 =	sld [smem:$0x3FB0];
	_ =	sdelay $0x3  }
0x36: {  	p1 =	seq.s32 s10, $0x1;
	s10 =	sld [smem:$0x3FB1];
	_ =	sdelay $0x3  }
0x37: {  	[smem:$0x3FB1] =	sst s10  }
0x38: {  	s10 =	sld [smem:$0x3FB2]  }
0x39: {  	_ = 	snop;
	(pc) =	sbr.ind lr, $3  }
0x3a: {  	_ = 	snop  }
0x3b: {  	_ = 	snop  }
0x3c: {  	p2 =	seq.s32 s10, $0x1;
	s10 =	sld [smem:$0x3FB1]  }
0x3d: {  	_ =	shalt  }
0x3e: {  	_ =	shalt  }
0x3f: {  	_ =	shalt  }
0x40: {  	_ =	shalt  }
0x41: {  	_ =	shalt  }
0x42: {  	_ =	shalt  }
0x43: {  	_ =	shalt  }
0x44: {  	_ =	shalt  }
0x45: {  	_ =	shalt  }
0x46: {  	_ =	shalt  }
0x47: {  	_ =	shalt  }
0x48: {  	_ =	shalt  }
0x49: {  	_ =	shalt  }
0x4a: {  	_ =	shalt  }
0x4b: {  	_ =	shalt  }
0x4c: {  	_ =	shalt  }
0x4d: {  	_ =	shalt  }
0x4e: {  	_ =	shalt  }
0x4f: {  	_ =	shalt  }
0x50: {  	_ =	shalt  }
0x51: {  	_ =	shalt  }
0x52: {  	_ =	shalt  }
0x53: {  	_ =	shalt  }
0x54: {  	_ =	shalt  }
0x55: {  	_ =	shalt  }
0x56: {  	_ =	shalt  }
0x57: {  	_ =	shalt  }
0x58: {  	_ =	shalt  }
0x59: {  	_ =	shalt  }
0x5a: {  	_ =	shalt  }
0x5b: {  	_ =	shalt  }
0x5c: {  	_ =	shalt  }
0x5d: {  	_ =	shalt  }
0x5e: {  	_ =	shalt  }
0x5f: {  	_ =	shalt  }
0x60: {  	_ =	shalt  }
0x61: {  	_ =	shalt  }
0x62: {  	_ =	shalt  }
0x63: {  	_ =	shalt  }
0x64: {  	_ =	shalt  }
0x65: {  	_ =	shalt  }
0x66: {  	_ =	shalt  }
0x67: {  	_ =	shalt  }
0x68: {  	_ =	shalt  }
0x69: {  	_ =	shalt  }
0x6a: {  	_ =	shalt  }
0x6b: {  	_ =	shalt  }
0x6c: {  	_ =	shalt  }
0x6d: {  	_ =	shalt  }
0x6e: {  	_ =	shalt  }
0x6f: {  	_ =	shalt  }
0x70: {  	_ =	shalt  }
0x71: {  	_ =	shalt  }
0x72: {  	_ =	shalt  }
0x73: {  	_ =	shalt  }
0x74: {  	_ =	shalt  }
0x75: {  	_ =	shalt  }
0x76: {  	_ =	shalt  }
0x77: {  	_ =	shalt  }
0x78: {  	_ =	shalt  }
0x79: {  	_ =	shalt  }
0x7a: {  	_ =	shalt  }
0x7b: {  	_ =	shalt  }
0x7c: {  	_ =	shalt  }
0x7d: {  	_ =	shalt  }
0x7e: {  	_ =	shalt  }
0x7f: {  	_ =	shalt  }
0x80: {  	_ =	shalt  }
0x81: {  	_ =	shalt  }
0x82: {  	_ =	shalt  }
0x83: {  	_ =	shalt  }
0x84: {  	_ =	shalt  }
0x85: {  	_ =	shalt  }
0x86: {  	_ =	shalt  }
0x87: {  	_ =	shalt  }
.Lfunc_end0:
.L_simem_size_0:
called_computation.2_lowered:
.L_overlay_start_0:
0x88: {  	s2 =	sld [smem:$0x3FD9]  }
0x89: {  	s3 =	sld [smem:$0x3FFE];
	_ =	sdelay $0x1  }
0x8a: {  	s1 =	srdreg.scid  }
0x8b: {  	s0 =	sand.u32 $0x1, s1  }
0x8c: {  	s17 =	sshll.u32 s0, $0xA;
	s2 =	sadd.s32 s3, s2  }
0x8d: {  	s2 =	sadd.s32 s2, s17  }
0x8e: {  	[smem:$0x3FBD] =	sst s2  }
0x8f: {  	_ = 	snop  }
0x90: {  	s2 =	sld [smem:$0x3FC7]  }
0x91: {  	s18 =	sld [smem:$0x3FD0];
	(tm) =	ssettm $0x1  }
0x92: {  	s4 =	sld [smem:$0x3FFB];
	_ =	sdelay $0x3  }
0x93: {  	_ =	strace s4  }
0x94: {  	s4 =	sld [smem:$0x3FFC];
	_ =	sdelay $0x3  }
0x95: {  	_ =	strace s4  }
0x96: {  	s4 =	sld [smem:$0x3FFD];
	_ =	sdelay $0x3  }
0x97: {  	_ =	strace s4  }
0x98: {  	_ =	strace $0x8FFFFFFF  }
0x99: {  	s19 =	sld [smem:$0x3FDB];
	_ =	sdelay $0x1  }
0x9a: {  	s5 =	simm.s32 $_scs_section_size  }
0x9b: {  	s6 =	simm.s32 $_size__tile_overlayer_lowered;
	s7 =	simm.s32 $_tile_overlayer_lowered  }
0x9c: {  	s22 =	simm.s32 $0x1BFF;
	s21 =	sshll.u32 s7, $0x1;
	s4 =	sadd.s32 s5, s19  }
0x9d: {  	s8 =	simm.s32 $0x0;
	s20 =	sshll.u32 s6, $0x1;
	s6 =	sadd.s32 s21, s4  }
0x9e: {  	[timem:s8], [sflag:s22] =	dma.local [hbm:s6], s20  }
0x9f: {  	_ =	swait.ge [sflag:s22], s20  }
0xa0: {  	s5 =	ssub.s32 $0x0, s20;
	[sflag:s22] =	ssyncset.done $0x0  }
0xa1: {  	[sflag:s22] =	ssyncadd.s32 s5;
	_ =	sdelay $0x1  }
0xa2: {  	s23 =	simm.s32 $0x1B8B  }
0xa3: {  	_ =	swait.ge [sflag:s23], $0x1  }
0xa4: {  	[sflag:s23] =	ssyncset.done $0x0  }
0xa5: {  	s25 =	simm.s32 $0x1B8E;
	s24 =	sld [smem:$0x3FFE];
	[sflag:s23] =	ssyncadd.s32 $0xFFFFFFFF  }
0xa6: {  	s26 =	simm.s32 $execute0_lowered;
	[smem:$0x3FD2] =	sst s25  }
0xa7: {  	s6 =	sshll.u32 s26, $0x1;
	_ =	strace $0x8000004C;
	[dreg:$0x1] =	wrdreg $0xFFFFFFFF  }
0xa8: {  	s28 =	simm.s32 $_size_execute0_lowered;
	s4 =	sadd.s32 s4, s6;
	[dreg:$0x0] =	wrdreg $0x0  }
0xa9: {  	s6 =	sshll.u32 s28, $0x1;
	[dreg:$0x2] =	wrdreg s4  }
0xaa: {  	[dreg:$0x3] =	wrdreg s6  }
0xab: {  	[dreg:$0x4] =	wrdreg $0xC0  }
0xac: {  	_ =	task [dreg:s8], $0x5FFFF  }
0xad: {  	[dreg:$0x1] =	wrdreg $0xFFFFFFFF  }
0xae: {  	[dreg:$0x0] =	wrdreg $0x60  }
0xaf: {  	[dreg:$0x2] =	wrdreg s24  }
0xb0: {  	[dreg:$0x3] =	wrdreg s18  }
0xb1: {  	[dreg:$0x4] =	wrdreg s2  }
0xb2: {  	[dreg:$0x5] =	wrdreg $0x0  }
0xb3: {  	[dreg:$0x6] =	wrdreg $0x9  }
0xb4: {  	_ =	task.clear_ibuf [dreg:s8], $0x7FFFF;
	_ =	strace $0x9000004C  }
0xb5: {  	s29 =	simm.s32 $0x9;
	_ =	strace $0x8000004E  }
0xb6: {  	_ =	swait.ge [sflag:s29], $0x1  }
0xb7: {  	[sflag:s29] =	ssyncadd.s32 $0xFFFFFFFF  }
0xb8: {  	_ =	strace $0x9000004E  }
0xb9: {  	_ =	sfence  }
0xba: {  	s30 =	sld [smem:$0x0];
	_ =	sdelay $0x2  }
0xbb: {  	s31 =	sshll.u32 s1, $0xD;
	s1 =	sshrl.u32 s1, $0x2  }
0xbc: {  	s3 =	sand.u32 $0x4000, s31;
	s1 =	sadd.s32 s1, s30  }
0xbd: {  	s0 =	sor.u32 s3, s0;
	s1 =	sshll.u32 s1, $0x11  }
0xbe: {  	s0 =	sor.u32 s1, s0  }
0xbf: {  	s0 =	sadd.s32 $0x8F2B, s0  }
0xc0: {  	[sflag:s0] =	ssyncadd.remote.s32 $0x1  }
0xc1: {  	_ =	sfence.sel $0xFFFF  }
0xc2: {  	[dreg:$0x0] =	wrdreg $0xFFFFFFFF;
	(pc) =	sbr.abs _section_cstart, $3  }
0xc3: {  	[dreg:$0x1] =	wrdreg $0xFFFFFFFF  }
0xc4: {  	_ =	task.clear_ibuf [dreg:s8], $0x2FFFF;
	_ =	strace $0x9FFFFFFF  }
0xc5: {  	(tm) =	ssettm $0x7FFFFFFF  }
tec
execute0_lowered:
.L_overlay_start_1:
0x0: {  	(tag) =	ssettag $0x1  }
0x1: {  	s8 =	rddreg [dreg:$0x0]  }
0x2: {  	s0 =	rddreg [dreg:$0x1]  }
0x3: {  	s3 =	rddreg [dreg:$0x2]  }
0x4: {  	s1 =	srdreg.scid;
	s4 =	rddreg [dreg:$0x3]  }
0x5: {  	s2 =	stileid.u32;
	s5 =	simm.s32 $0x0;
	s16 =	simm.s32 $0x19100  }
0x6: {  	s17 =	simm.s32 $0x2;
	s18 =	simm.s32 $0x19080;
	s19 =	simm.s32 $0x14000  }
0x7: {  	s20 =	simm.s32 $0x14080;
	s21 =	simm.s32 $0x50;
	s22 =	simm.s32 $0x16880  }
0x8: {  	s9 =	sand.u32 $0x1, s1;
	s1 =	rddreg [dreg:$0x4];
	s7 =	smul.u32 $0x14000, s2  }
0x9: {  	s23 =	simm.s32 $0x1;
	[smem:$0x7FF] =	sst s5;
	s11 =	smul.u32 $0x50000, s2  }
0xa: {  	s6 =	smul.u32 $0x140000, s9;
	_ =	strace $0x8000004D;
	s30 =	ssub.s32 $0x2, s9  }
0xb: {  	s9 =	sshll.u32 s9, $0x4;
	s31 =	sshrl.u32 s30, $0x1;
	s11 =	sshrl.u32 s11, $0x2  }
0xc: {  	s13 =	sor.u32 s2, s9;
	s7 =	sadd.s32 s7, s6;
	s6 =	sadd.s32 $0xDA00, s8  }
0xd: {  	s15 =	ssub.s32 s30, s31;
	s13 =	smul.u32 $0x2710, s13;
	s10 =	sshrl.u32 s7, $0x3  }
0xe: {  	s7 =	sadd.s32 $0x3C00, s8;
	s14 =	sadd.s32 s10, s8;
	s8 =	sadd.s32 s11, s4  }
0xf: {  	s15 =	smax.u32 s15, $0x1;
	s9 =	sadd.s32 $0x4000, s8;
	s10 =	sadd.s32 $0x8000, s8  }
0x10: {  	v0 =	vimm.f32 $0.0e+00;
	s11 =	sadd.s32 $0xC000, s8;
	s12 =	sadd.s32 $0x10000, s8;
	s14 =	sadd.s32 $0x34C00, s14  }
.LBB2_1:
0x11: {  	s24 =	simm.s32 $0x0;
	s25 =	simm.s32 $0x200  }
.LBB2_2:
0x12: {  	p0 =	sne.s32 s25, $0xFE00;
	[tilespmem:s24+$0x19170] =	vst v0  }
0x13: {  	[tilespmem:s24+$0x19100] =	vst v0  }
0x14: {  	[tilespmem:s24+$0x19110] =	vst v0  }
.Ltmp0:
0x15: {  	[tilespmem:s24+$0x19120] =	vst v0;
	(pc) =	sbr.rel @p0 .LBB2_2-.Ltmp0, $4  }
0x16: {  	[tilespmem:s24+$0x19130] =	vst v0  }
0x17: {  	[tilespmem:s24+$0x19140] =	vst v0  }
0x18: {  	[tilespmem:s24+$0x19150] =	vst v0  }
0x19: {  	[tilespmem:s24+$0x19160] =	vst v0;
	s24 =	sshra.s32 s25, $0x2;
	s25 =	sadd.s32 $0x200, s25  }
0x1a: {  	[tilespmem:s24+$0x19170] =	vst v0  }
0x1b: {  	[tilespmem:s24+$0x19100] =	vst v0  }
0x1c: {  	[tilespmem:s24+$0x19110] =	vst v0  }
0x1d: {  	[tilespmem:s24+$0x19120] =	vst v0  }
0x1e: {  	[tilespmem:s24+$0x19130] =	vst v0  }
0x1f: {  	[tilespmem:s24+$0x19140] =	vst v0  }
0x20: {  	[tilespmem:s24+$0x19150] =	vst v0  }
0x21: {  	[tilespmem:s24+$0x19160] =	vst v0  }
0x22: {  	[spmem:s8] =	stream.linear.scatter [tilespmem:s16], [sflag:$0x2], $0x4000, $0x38;
	[tilespmem:$0x1D100] =	vst v63  }
0x23: {  	_ =	swait.ge [sflag:s17], $0x4000  }
0x24: {  	[sflag:s17] =	ssyncset.done $0x0  }
0x25: {  	[sflag:s17] =	ssyncadd.s32 $0xFFFFC000  }
0x26: {  	[spmem:s9] =	stream.linear.scatter [tilespmem:s16], [sflag:$0x2], $0x4000, $0x38;
	[tilespmem:$0x1D100] =	vst v63  }
0x27: {  	_ =	swait.ge [sflag:s17], $0x4000  }
0x28: {  	[sflag:s17] =	ssyncset.done $0x0  }
0x29: {  	[sflag:s17] =	ssyncadd.s32 $0xFFFFC000  }
0x2a: {  	[spmem:s10] =	stream.linear.scatter [tilespmem:s16], [sflag:$0x2], $0x4000, $0x38;
	[tilespmem:$0x1D100] =	vst v63  }
0x2b: {  	_ =	swait.ge [sflag:s17], $0x4000  }
0x2c: {  	[sflag:s17] =	ssyncset.done $0x0  }
0x2d: {  	[sflag:s17] =	ssyncadd.s32 $0xFFFFC000  }
0x2e: {  	[spmem:s11] =	stream.linear.scatter [tilespmem:s16], [sflag:$0x2], $0x4000, $0x38;
	[tilespmem:$0x1D100] =	vst v63  }
0x2f: {  	_ =	swait.ge [sflag:s17], $0x4000  }
0x30: {  	[sflag:s17] =	ssyncset.done $0x0  }
0x31: {  	[sflag:s17] =	ssyncadd.s32 $0xFFFFC000  }
0x32: {  	[spmem:s12] =	stream.linear.scatter [tilespmem:s16], [sflag:$0x2], $0x4000, $0x38;
	[tilespmem:$0x1D100] =	vst v63  }
0x33: {  	_ =	swait.ge [sflag:s17], $0x4000  }
0x34: {  	[sflag:s17] =	ssyncset.done $0x0  }
0x35: {  	[sflag:s17] =	ssyncadd.s32 $0xFFFFC000  }
0x36: {  	s24 =	simm.s32 $0x0;
	s25 =	simm.s32 $0x0;
	[bflag:$0x0] =	sbarrier.arrive $0xFFFF  }
.LBB2_4:
0x37: {  	s26 =	smul.u32 $0x50, s25;
	_ =	sdelay $0x1  }
0x38: {  	s26 =	sadd.s32 s13, s26  }
0x39: {  	s28 =	sshrl.u32 s26, $0x3  }
0x3a: {  	s29 =	sadd.s32 s7, s28  }
0x3b: {  	[tilespmem:s18], [sflag:$0x2] =	stream.linear.gather [hbm4b:s29+s24], $0x50, $0x38;
	[tilespmem:$0x1D100] =	vst v63  }
0x3c: {  	_ =	swait.ge [sflag:s17], $0x50  }
0x3d: {  	[sflag:s17] =	ssyncset.done $0x0  }
0x3e: {  	s28 =	sadd.s32 s0, s28;
	[sflag:s17] =	ssyncadd.s32 $0xFFFFFFB0  }
0x3f: {  	[tilespmem:s19], [sflag:$0x2] =	stream.linear.gather [hbm4b:s28+s24], $0x50, $0x38;
	[tilespmem:$0x1D100] =	vst v63  }
0x40: {  	_ =	swait.ge [sflag:s17], $0x50  }
0x41: {  	s26 =	sshll.u32 s26, $0x4;
	[sflag:s17] =	ssyncset.done $0x0  }
0x42: {  	s26 =	sadd.s32 s3, s26;
	[sflag:s17] =	ssyncadd.s32 $0xFFFFFFB0  }
0x43: {  	[tilespmem:s20], [sflag:$0x2] =	stream.linear.gather [hbm4b:s26+s24], $0x2800, $0x38;
	[tilespmem:$0x1D100] =	vst v63  }
0x44: {  	_ =	swait.ge [sflag:s17], $0x2800  }
0x45: {  	[sflag:s17] =	ssyncset.done $0x0  }
0x46: {  	[sflag:s17] =	ssyncadd.s32 $0xFFFFD800  }
0x47: {  	[tilespmem:s22], [sflag:$0x1] =	stream.indirect.gather [hbm4b:s6+s21], $0x80, s18, s21, $0xb8;
	[tilespmem:$0x1D100] =	vst v63  }
0x48: {  	_ =	swait.ge [sflag:s23], $0x2800  }
0x49: {  	[sflag:s23] =	ssyncset.done $0x0  }
0x4a: {  	s26 =	simm.s32 $0x0;
	[sflag:s23] =	ssyncadd.s32 $0xFFFFD800  }
0x4b: {  	v7 =	vld [tilespmem:s26+$0x16880]  }
0x4c: {  	v12 =	vld [tilespmem:s26+$0x16890]  }
0x4d: {  	v6 =	vld [tilespmem:s26+$0x168A0]  }
0x4e: {  	v5 =	vld [tilespmem:s26+$0x168B0]  }
0x4f: {  	v4 =	vld [tilespmem:s26+$0x168C0]  }
0x50: {  	v3 =	vld [tilespmem:s26+$0x168D0]  }
0x51: {  	v2 =	vld [tilespmem:s26+$0x168E0]  }
0x52: {  	v1 =	vld [tilespmem:s26+$0x168F0]  }
0x53: {  	v13 =	vld [tilespmem:s26+$0x14080]  }
0x54: {  	v14 =	vld [tilespmem:s26+$0x14090]  }
0x55: {  	v11 =	vld [tilespmem:s26+$0x140A0]  }
0x56: {  	v10 =	vld [tilespmem:s26+$0x140B0]  }
0x57: {  	v9 =	vld [tilespmem:s26+$0x140C0]  }
0x58: {  	v8 =	vld [tilespmem:s26+$0x140D0];
	v13 =	vadd.f32 v13, v7  }
0x59: {  	s28 =	simm.s32 $0x200;
	v12 =	vadd.f32 v14, v12;
	v7 =	vld [tilespmem:s26+$0x140E0]  }
.LBB2_5:
0x5a: {  	s29 =	sshra.s32 s28, $0x2;
	p0 =	sne.s32 s28, $0x9E00;
	v13 =	vmax.f32 v13, $0.0e+00;
	v6 =	vadd.f32 v11, v6;
	v11 =	vld [tilespmem:s26+$0x140F0]  }
0x5b: {  	v14 =	vld [tilespmem:s29+$0x16880];
	[tilespmem:s26+$0x14080] =	vst v13;
	v12 =	vmax.f32 v12, $0.0e+00;
	v5 =	vadd.f32 v10, v5  }
0x5c: {  	v15 =	vld [tilespmem:s29+$0x16890];
	[tilespmem:s26+$0x14090] =	vst v12;
	v10 =	vmax.f32 v6, $0.0e+00;
	v4 =	vadd.f32 v9, v4  }
0x5d: {  	v6 =	vld [tilespmem:s29+$0x168A0];
	[tilespmem:s26+$0x140A0] =	vst v10;
	v9 =	vmax.f32 v5, $0.0e+00;
	v3 =	vadd.f32 v8, v3  }
0x5e: {  	v5 =	vld [tilespmem:s29+$0x168B0];
	[tilespmem:s26+$0x140B0] =	vst v9;
	v8 =	vmax.f32 v4, $0.0e+00;
	v2 =	vadd.f32 v7, v2  }
0x5f: {  	v4 =	vld [tilespmem:s29+$0x168C0];
	[tilespmem:s26+$0x140C0] =	vst v8;
	v7 =	vmax.f32 v3, $0.0e+00;
	v1 =	vadd.f32 v11, v1  }
0x60: {  	v3 =	vld [tilespmem:s29+$0x168D0];
	[tilespmem:s26+$0x140D0] =	vst v7;
	v7 =	vmax.f32 v2, $0.0e+00  }
0x61: {  	v2 =	vld [tilespmem:s29+$0x168E0];
	[tilespmem:s26+$0x140E0] =	vst v7;
	v7 =	vmax.f32 v1, $0.0e+00  }
0x62: {  	v1 =	vld [tilespmem:s29+$0x168F0];
	[tilespmem:s26+$0x140F0] =	vst v7;
	s26 =	smov.u32 s29  }
0x63: {  	v7 =	vld [tilespmem:s26+$0x14080]  }
0x64: {  	v12 =	vld [tilespmem:s26+$0x14090]  }
.Ltmp1:
0x65: {  	v11 =	vld [tilespmem:s26+$0x140A0];
	(pc) =	sbr.rel @p0 .LBB2_5-.Ltmp1, $4  }
0x66: {  	v10 =	vld [tilespmem:s26+$0x140B0]  }
0x67: {  	v9 =	vld [tilespmem:s26+$0x140C0]  }
0x68: {  	v13 =	vadd.f32 v7, v14;
	v8 =	vld [tilespmem:s26+$0x140D0]  }
0x69: {  	s28 =	sadd.s32 $0x200, s28;
	v12 =	vadd.f32 v12, v15;
	v7 =	vld [tilespmem:s26+$0x140E0]  }
0x6a: {  	v13 =	vmax.f32 v13, $0.0e+00;
	v6 =	vadd.f32 v11, v6;
	v63 =	vld [tilespmem:s26+$0x140F0]  }
0x6b: {  	[tilespmem:s26+$0x14080] =	vst v13;
	v12 =	vmax.f32 v12, $0.0e+00;
	v5 =	vadd.f32 v10, v5  }
0x6c: {  	[tilespmem:s26+$0x14090] =	vst v12;
	v6 =	vmax.f32 v6, $0.0e+00;
	v4 =	vadd.f32 v9, v4  }
0x6d: {  	[tilespmem:s26+$0x140A0] =	vst v6;
	v5 =	vmax.f32 v5, $0.0e+00;
	v3 =	vadd.f32 v8, v3  }
0x6e: {  	[tilespmem:s26+$0x140B0] =	vst v5;
	v4 =	vmax.f32 v4, $0.0e+00;
	v2 =	vadd.f32 v7, v2  }
0x6f: {  	[tilespmem:s26+$0x140C0] =	vst v4;
	v3 =	vmax.f32 v3, $0.0e+00;
	v1 =	vadd.f32 v63, v1  }
0x70: {  	s25 =	sadd.s32 $0x1, s25;
	[tilespmem:s26+$0x140D0] =	vst v3;
	v2 =	vmax.f32 v2, $0.0e+00  }
0x71: {  	p0 =	sne.s32 s25, $0x7D;
	[tilespmem:s26+$0x140E0] =	vst v2;
	v1 =	vmax.f32 v1, $0.0e+00  }
.Ltmp2:
0x72: {  	[tilespmem:s26+$0x140F0] =	vst v1;
	(pc) =	sbr.rel @p0 .LBB2_4-.Ltmp2, $4  }
0x73: {  	[spmem:s4] =	stream.indirect.scatter.add.f32 [tilespmem:s20], [sflag:$0x2], $0x80, s19, s21, $0xb8;
	[tilespmem:$0x1D100] =	vst v63  }
0x74: {  	_ =	swait.ge [sflag:s17], $0x2800  }
0x75: {  	[sflag:s17] =	ssyncset.done $0x0  }
0x76: {  	[sflag:s17] =	ssyncadd.s32 $0xFFFFD800  }
0x77: {  	s5 =	sadd.s32 $0x1, s5  }
0x78: {  	s24 =	sshll.u32 s2, $0x6;
	[bflag:$0x0] =	sbarrier.arrive $0xFFFF;
	p0 =	sne.s32 s5, s15  }
.Ltmp3:
0x79: {  	s25 =	sshrl.u32 s8, $0x3;
	s24 =	sor.u32 $0x1C02, s24;
	(pc) =	sbr.rel @p0 .LBB2_1-.Ltmp3, $4  }
0x7a: {  	[hbm:s14], [sflag:s24] =	dma.local [spmem:s25], $0x2800  }
0x7b: {  	_ =	swait.ge [sflag:s17], $0x2800  }
0x7c: {  	[sflag:s17] =	ssyncset.done $0x0  }
0x7d: {  	[sflag:s17] =	ssyncadd.s32 $0xFFFFD800  }
0x7e: {  	_ =	sfence.sel $0x180000  }
0x7f: {  	[bflag:$0x0] =	sbarrier.arrive $0xFFFF  }
0x80: {  	p0 =	sne.s32 s2, $0x0;
	_ =	strace $0x9000004D  }
0x81: {  	s0 =	sadd.s32 @!p0 $0x100000, s1;
	[bflag:$0x2] =	sbarrier.arrive $0xFFFF  }
0x82: {  	[sflag:s0] =	ssyncadd.tile.s32 @!p0 $0x1;
	_ =	shalt  }
.Lfunc_end2:
_tile_overlayer_lowered:
.L_overlay_start_2:
0x83: {  	(tag) =	ssettag $0x2  }
0x84: {  	s0 =	rddreg [dreg:$0x0];
	s2 =	stileid.u32  }
0x85: {  	s1 =	rddreg [dreg:$0x1];
	p0 =	sne.s32 s2, $0x0  }
0x86: {  	s3 =	rddreg [dreg:$0x2];
	[bflag:$0x3] =	sbarrier.arrive $0xFFFF;
	s2 =	simm.s32 @!p0 $0x1C02  }
0x87: {  	[timem:s3], [sflag:s2] =	dma.local @!p0 [hbm:s0], s1  }
0x88: {  	s0 =	simm.s32 @!p0 $0x2  }
0x89: {  	_ =	swait.ge @!p0 [sflag:s0], s1  }
0x8a: {  	s1 =	ssub.s32 @!p0 $0x0, s1;
	[sflag:s0] =	ssyncset.done @!p0 $0x0  }
0x8b: {  	[sflag:s0] =	ssyncadd.s32 @!p0 s1  }
0x8c: {  	[bflag:$0x3] =	sbarrier.arrive $0xFFFF  }
0x8d: {  	_ =	shalt  }

</sc_bundles>
